<compile_context>
chip_gen: v7x
topology: tpu7x:2x2x1
jax: 0.10.2.dev20260603
libtpu: 0.0.44.dev20260713+nightly
codegen_flags: <defaults>
</compile_context>

<pallas_src>
import functools

import jax
import jax.numpy as jnp
from jax import lax
from jax.experimental import pallas as pl
from jax.experimental.pallas import tpu as pltpu
from jax.experimental.pallas import tpu_sc as plsc

_ROWS = 100000
_N_CHUNKS = 4
_CHUNK = 16
_DIM = _N_CHUNKS * _CHUNK

_HASH_A = [2654435761, 2246822519, 3266489917, 668265263]
_HASH_B = [374761393, 3144134277, 1013904223, 2773480762]

_NW = 32
_LANES = 16
_STAGE = 4096


def _build_sc_call(batch):
    rows_per_w = _DIM // _NW
    mesh = plsc.VectorSubcoreMesh(core_axis_name="c", subcore_axis_name="s")

    @functools.partial(
        pl.kernel,
        mesh=mesh,
        compiler_params=pltpu.CompilerParams(use_tc_tiling_on_sc=True,
                                             needs_layout_passes=False,
                                             disable_bounds_checks=True,
                                             disable_semaphore_checks=True),
        out_type=jax.ShapeDtypeStruct((_DIM, batch), jnp.float32),
        scratch_types=[
            pltpu.VMEM((_ROWS,), jnp.float32),
            pltpu.VMEM((batch,), jnp.int32),
            pltpu.VMEM((2, _STAGE), jnp.float32),
            pltpu.VMEM_SHARED((batch,), jnp.int32),
            pltpu.SemaphoreType.DMA,
            pltpu.SemaphoreType.DMA,
        ],
    )
    def sc_kernel(x_hbm, tbl_hbm, out_hbm, row_v, h_v, stage_v, x_sh,
                  sem, sem_out):
        w = lax.axis_index("s") * 2 + lax.axis_index("c")
        c = w // (_NW // _N_CHUNKS)
        k0 = (w % (_NW // _N_CHUNKS)) * rows_per_w

        cp0 = pltpu.async_copy(tbl_hbm.at[c, k0], row_v, sem)

        @pl.when(lax.axis_index("s") == 0)
        def _load_x():
            pltpu.sync_copy(x_hbm, x_sh)

        plsc.subcore_barrier()
        pltpu.sync_copy(x_sh, h_v)

        def sel(vals):
            r = jnp.uint32(vals[3])
            for j in range(2, -1, -1):
                r = jnp.where(c == j, jnp.uint32(vals[j]), r)
            return r

        a_c = sel(_HASH_A)
        b_c = sel(_HASH_B)
        rows_mod = jnp.uint32(_ROWS)

        @plsc.parallel_loop(0, batch // _LANES, unroll=8)
        def _hashv(i):
            xv = h_v[pl.ds(i * _LANES, _LANES)]
            h = plsc.bitcast(xv, jnp.uint32) * a_c + b_c
            h_v[pl.ds(i * _LANES, _LANES)] = plsc.bitcast(h % rows_mod,
                                                          jnp.int32)

        cp0.wait()

        n_pieces = batch // _STAGE
        pending = [None, None]
        for r in range(rows_per_w):
            d = c * _CHUNK + k0 + r
            for piece in range(n_pieces):
                buf = (r * n_pieces + piece) % 2
                if pending[buf] is not None:
                    pending[buf].wait()

                @plsc.parallel_loop(0, _STAGE // _LANES, unroll=8)
                def _gat(i):
                    idx = h_v[pl.ds(piece * _STAGE + i * _LANES, _LANES)]
                    stage_v[buf, pl.ds(i * _LANES, _LANES)] = (
                        plsc.load_gather(row_v, [idx]))

                pending[buf] = pltpu.async_copy(
                    stage_v.at[buf],
                    out_hbm.at[d, pl.ds(piece * _STAGE, _STAGE)], sem_out)
            if r + 1 < rows_per_w:
                pltpu.async_copy(tbl_hbm.at[c, k0 + r + 1], row_v, sem).wait()
        pending[0].wait()
        pending[1].wait()

    return sc_kernel


@jax.jit
def _run(x, table):
    batch = x.shape[0]
    tbl_t = jnp.transpose(table, (1, 2, 0))
    out_t = _build_sc_call(batch)(x, tbl_t)
    return out_t.T


def kernel(x, table):
    return _run(x, table)

# --- scband reference (transcript-rebuilt; emitter-appended) ---
"""Pipeline reference for scband-compositional-embedding-64029372449411 (READ-ONLY COPY).

The authoritative reference and input builder live on the scoring server;
editing this copy changes nothing except your own understanding.
"""

import jax, jax.numpy as jnp
import numpy as np

ROWS = 100000
N_CHUNKS = 4
CHUNK = 16
VOCAB = 1000000
BATCH = 16384

_A = np.array([2654435761, 2246822519, 3266489917, 668265263], dtype=np.uint32)
_B = np.array([374761393, 3144134277, 1013904223, 2773480762], dtype=np.uint32)


def _hash(x):
    # x: int32[B] raw ids in [0, VOCAB). Returns int32[B, N_CHUNKS] row ids in [0, ROWS).
    xu = x.astype(jnp.uint32)
    a = jnp.asarray(_A)
    b = jnp.asarray(_B)
    h = xu[:, None] * a[None, :] + b[None, :]  # uint32 wraparound multiplicative hash
    return (h % jnp.uint32(ROWS)).astype(jnp.int32)


def setup_inputs(seed: int = 0) -> dict:
    key = jax.random.key(seed)
    k1, k2 = jax.random.split(key)
    x = jax.random.randint(k1, (BATCH,), 0, VOCAB, dtype=jnp.int32)
    dim = N_CHUNKS * CHUNK
    bound = dim ** (-0.5)
    table = jax.random.uniform(k2, (ROWS, N_CHUNKS, CHUNK), minval=-bound, maxval=bound, dtype=jnp.float32)
    return {"x": x, "table": table}


def reference(x, table):
    # hs: [B, N_CHUNKS]; torch.gather(table, 0, hs_expanded)[b,c,k] == table[hs[b,c], c, k]
    hs = _hash(x)
    gathered = table[hs, jnp.arange(N_CHUNKS)[None, :], :]  # [B, N_CHUNKS, CHUNK]
    return gathered.reshape(hs.shape[0], N_CHUNKS * CHUNK)

if __name__ == "__main__":
    import jax
    _d = setup_inputs()
    print(jax.jit(kernel)(*tuple(_d.values())))

</pallas_src>

<mosaic_0001>
#map = affine_map<(d0, d1) -> (0)>
#map1 = affine_map<(d0, d1) -> (0, 0, 0)>
#map2 = affine_map<(d0, d1) -> (0, 0)>
module attributes {stable_mosaic.version = 14 : i64} {
  func.func @sc_kernel(%arg0: i32, %arg1: i32, %arg2: memref<16384xi32, #tpu.memory_space<hbm>>, %arg3: memref<4x16x100000xf32, #tpu.memory_space<hbm>>, %arg4: memref<64x16384xf32, #tpu.memory_space<hbm>>, %arg5: memref<100000xf32, #tpu.memory_space<vmem>>, %arg6: memref<16384xi32, #tpu.memory_space<vmem>>, %arg7: memref<2x4096xf32, #tpu.memory_space<vmem>>, %arg8: memref<16384xi32, #tpu.memory_space<vmem_shared>>, %arg9: memref<!tpu.dma_semaphore, #tpu.memory_space<semaphore_mem>>, %arg10: memref<!tpu.dma_semaphore, #tpu.memory_space<semaphore_mem>>) attributes {dimension_semantics = [#tpu.dimension_semantics<core_parallel>, #tpu.dimension_semantics<subcore_parallel>], iteration_bounds = array<i64: 2, 16>, scalar_prefetch = 0 : i64, scratch_operands = 6 : i64, tpu.core_type = #tpu.core_type<sc_vector_subcore>, window_params = [{transform_indices = #map}, {transform_indices = #map1}, {transform_indices = #map2}]} {
    %mul3A = arith.constant 2 : i32
    %mul3A_0 = arith.muli %arg1, %mul3A : i32
    %add3A = arith.addi %mul3A_0, %arg0 : i32
    %jit3A = arith.constant 8 : i32
    %div3A = arith.divsi %add3A, %jit3A : i32
    %sign3A = arith.constant 0 : i32
    %sign3A_1 = arith.cmpi sgt, %add3A, %sign3A : i32
    %sign3A_2 = arith.extui %sign3A_1 : i1 to i32
    %sign3A_3 = arith.constant 0 : i32
    %sign3A_4 = arith.cmpi slt, %add3A, %sign3A_3 : i32
    %sign3A_5 = arith.extui %sign3A_4 : i1 to i32
    %sign3A_6 = arith.subi %sign3A_2, %sign3A_5 : i32
    %sign3A_7 = arith.constant 0 : i32
    %sign3A_8 = arith.cmpi sgt, %jit3A, %sign3A_7 : i32
    %sign3A_9 = arith.extui %sign3A_8 : i1 to i32
    %sign3A_10 = arith.constant 0 : i32
    %sign3A_11 = arith.cmpi slt, %jit3A, %sign3A_10 : i32
    %sign3A_12 = arith.extui %sign3A_11 : i1 to i32
    %sign3A_13 = arith.subi %sign3A_9, %sign3A_12 : i32
    %ne3A = arith.cmpi ne, %sign3A_6, %sign3A_13 : i32
    %rem3A = arith.remsi %add3A, %jit3A : i32
    %ne3A_14 = arith.constant 0 : i32
    %ne3A_15 = arith.cmpi ne, %rem3A, %ne3A_14 : i32
    %and3A = arith.andi %ne3A, %ne3A_15 : i1
    %sub3A = arith.constant 1 : i32
    %sub3A_16 = arith.subi %div3A, %sub3A : i32
    %select_n3A = arith.select %and3A, %sub3A_16, %div3A : i32
    %jit3A_17 = arith.constant 8 : i32
    %eq3A = arith.constant 0 : i32
    %eq3A_18 = arith.cmpi eq, %jit3A_17, %eq3A : i32
    %jit3A_19 = arith.constant 1 : i32
    %select_n3A_20 = arith.select %eq3A_18, %jit3A_19, %jit3A_17 : i32
    %rem3A_21 = arith.remsi %add3A, %select_n3A_20 : i32
    %ne3A_22 = arith.constant 0 : i32
    %ne3A_23 = arith.cmpi ne, %rem3A_21, %ne3A_22 : i32
    %lt3A = arith.constant 0 : i32
    %lt3A_24 = arith.cmpi slt, %rem3A_21, %lt3A : i32
    %lt3A_25 = arith.constant 0 : i32
    %lt3A_26 = arith.cmpi slt, %select_n3A_20, %lt3A_25 : i32
    %ne3A_27 = arith.xori %lt3A_24, %lt3A_26 : i1
    %and3A_28 = arith.andi %ne3A_27, %ne3A_23 : i1
    %add3A_29 = arith.addi %rem3A_21, %select_n3A_20 : i32
    %select_n3A_30 = arith.select %and3A_28, %add3A_29, %rem3A_21 : i32
    %mul3A_31 = arith.constant 2 : i32
    %mul3A_32 = arith.muli %select_n3A_30, %mul3A_31 : i32
    %dma_start3A = arith.constant 0 : i32
    %dma_start3A_33 = tpu.memref_slice %arg3[%select_n3A, %mul3A_32, %dma_start3A] : memref<4x16x100000xf32, #tpu.memory_space<hbm>> -> memref<1x1x100000xf32, #tpu.memory_space<hbm>>
    %dma_start3A_34 = tpu.memref_squeeze %dma_start3A_33 : memref<1x1x100000xf32, #tpu.memory_space<hbm>> -> memref<100000xf32, #tpu.memory_space<hbm>>
    %dma_start3A_35 = arith.constant 0 : i32
    %dma_start3A_36 = tpu.memref_slice %arg3[%select_n3A, %mul3A_32, %dma_start3A_35] : memref<4x16x100000xf32, #tpu.memory_space<hbm>> -> memref<1x1x100000xf32, #tpu.memory_space<hbm>>
    %dma_start3A_37 = tpu.memref_squeeze %dma_start3A_36 : memref<1x1x100000xf32, #tpu.memory_space<hbm>> -> memref<100000xf32, #tpu.memory_space<hbm>>
    tpu.enqueue_dma source(%dma_start3A_37 : memref<100000xf32, #tpu.memory_space<hbm>>) target(%arg5 : memref<100000xf32, #tpu.memory_space<vmem>>) target_semaphore(%arg9 : memref<!tpu.dma_semaphore, #tpu.memory_space<semaphore_mem>>)
    %eq3A_38 = arith.constant 0 : i32
    %eq3A_39 = arith.cmpi eq, %arg1, %eq3A_38 : i32
    %convert_element_type3A = arith.extui %eq3A_39 : i1 to i32
    %cond3A = arith.constant 0 : i32
    %cond3A_40 = arith.cmpi ne, %convert_element_type3A, %cond3A : i32
    scf.if %cond3A_40 {
      "tpu.region"() ({
        %run_scoped3A = tpu.sem_alloc : memref<!tpu.dma_semaphore, #tpu.memory_space<semaphore_mem>>
        tpu.enqueue_dma source(%arg2 : memref<16384xi32, #tpu.memory_space<hbm>>) target(%arg8 : memref<16384xi32, #tpu.memory_space<vmem_shared>>) target_semaphore(%run_scoped3A : memref<!tpu.dma_semaphore, #tpu.memory_space<semaphore_mem>>)
        tpu.wait_dma2 semaphore(%run_scoped3A : memref<!tpu.dma_semaphore, #tpu.memory_space<semaphore_mem>>) src(%arg2 : memref<16384xi32, #tpu.memory_space<hbm>>) dst(%arg8 : memref<16384xi32, #tpu.memory_space<vmem_shared>>)
        tpu.yield
      }) : () -> ()
    } else {
    }
    %barrier3A = arith.constant 0 : index
    tpu.barrier barrier_id(%barrier3A)
    "tpu.region"() ({
      %run_scoped3A = tpu.sem_alloc : memref<!tpu.dma_semaphore, #tpu.memory_space<semaphore_mem>>
      tpu.enqueue_dma source(%arg8 : memref<16384xi32, #tpu.memory_space<vmem_shared>>) target(%arg6 : memref<16384xi32, #tpu.memory_space<vmem>>) target_semaphore(%run_scoped3A : memref<!tpu.dma_semaphore, #tpu.memory_space<semaphore_mem>>)
      tpu.wait_dma2 semaphore(%run_scoped3A : memref<!tpu.dma_semaphore, #tpu.memory_space<semaphore_mem>>) src(%arg8 : memref<16384xi32, #tpu.memory_space<vmem_shared>>) dst(%arg6 : memref<16384xi32, #tpu.memory_space<vmem>>)
      tpu.yield
    }) : () -> ()
    %eq3A_41 = arith.constant 2 : i32
    %eq3A_42 = arith.cmpi eq, %select_n3A, %eq3A_41 : i32
    %jit3A_43 = arith.constant -1028477379 : i32
    %jit3A_44 = arith.constant 668265263 : i32
    %select_n3A_45 = arith.select %eq3A_42, %jit3A_43, %jit3A_44 : i32
    %eq3A_46 = arith.constant 1 : i32
    %eq3A_47 = arith.cmpi eq, %select_n3A, %eq3A_46 : i32
    %jit3A_48 = arith.constant -2048144777 : i32
    %select_n3A_49 = arith.select %eq3A_47, %jit3A_48, %select_n3A_45 : i32
    %eq3A_50 = arith.constant 0 : i32
    %eq3A_51 = arith.cmpi eq, %select_n3A, %eq3A_50 : i32
    %jit3A_52 = arith.constant -1640531535 : i32
    %select_n3A_53 = arith.select %eq3A_51, %jit3A_52, %select_n3A_49 : i32
    %eq3A_54 = arith.constant 2 : i32
    %eq3A_55 = arith.cmpi eq, %select_n3A, %eq3A_54 : i32
    %jit3A_56 = arith.constant 1013904223 : i32
    %jit3A_57 = arith.constant -1521486534 : i32
    %select_n3A_58 = arith.select %eq3A_55, %jit3A_56, %jit3A_57 : i32
    %eq3A_59 = arith.constant 1 : i32
    %eq3A_60 = arith.cmpi eq, %select_n3A, %eq3A_59 : i32
    %jit3A_61 = arith.constant -1150833019 : i32
    %select_n3A_62 = arith.select %eq3A_60, %jit3A_61, %select_n3A_58 : i32
    %eq3A_63 = arith.constant 0 : i32
    %eq3A_64 = arith.cmpi eq, %select_n3A, %eq3A_63 : i32
    %jit3A_65 = arith.constant 374761393 : i32
    %select_n3A_66 = arith.select %eq3A_64, %jit3A_65, %select_n3A_62 : i32
    %parallel_loop3A = arith.constant 0 : i32
    %parallel_loop3A_67 = arith.constant 1024 : i32
    %parallel_loop3A_68 = arith.constant 1 : i32
    %parallel_loop3A_69 = arith.constant 100000 : i32
    scf.for %parallel_loop3A_333 = %parallel_loop3A to %parallel_loop3A_67 step %parallel_loop3A_68  : i32 {
      %parallel_loop3A_334 = arith.constant 16 : i32
      %parallel_loop3A_335 = arith.muli %parallel_loop3A_333, %parallel_loop3A_334 : i32
      %parallel_loop3A_336 = arith.index_cast %parallel_loop3A_335 : i32 to index
      %parallel_loop3A_337 = tpu.vector_load %arg6[%parallel_loop3A_336] {strides = array<i32>} : memref<16384xi32, #tpu.memory_space<vmem>>, vector<16xi32>,
      %parallel_loop3A_338 = vector.bitcast %parallel_loop3A_337 : vector<16xi32> to vector<16xi32>
      %parallel_loop3A_339 = vector.broadcast %select_n3A_53 : i32 to vector<16xi32>
      %parallel_loop3A_340 = arith.muli %parallel_loop3A_338, %parallel_loop3A_339 : vector<16xi32>
      %parallel_loop3A_341 = vector.broadcast %select_n3A_66 : i32 to vector<16xi32>
      %parallel_loop3A_342 = arith.addi %parallel_loop3A_340, %parallel_loop3A_341 : vector<16xi32>
      %parallel_loop3A_343 = arith.constant 0 : i32
      %parallel_loop3A_344 = arith.cmpi eq, %parallel_loop3A_69, %parallel_loop3A_343 : i32
      %parallel_loop3A_345 = arith.constant 1 : i32
      %parallel_loop3A_346 = arith.select %parallel_loop3A_344, %parallel_loop3A_345, %parallel_loop3A_69 : i32
      %parallel_loop3A_347 = vector.broadcast %parallel_loop3A_346 : i32 to vector<16xi32>
      %parallel_loop3A_348 = arith.remui %parallel_loop3A_342, %parallel_loop3A_347 : vector<16xi32>
      %parallel_loop3A_349 = arith.constant 0 : i32
      %parallel_loop3A_350 = vector.broadcast %parallel_loop3A_349 : i32 to vector<16xi32>
      %parallel_loop3A_351 = arith.cmpi ne, %parallel_loop3A_348, %parallel_loop3A_350 : vector<16xi32>
      %parallel_loop3A_352 = arith.constant 0 : i32
      %parallel_loop3A_353 = vector.broadcast %parallel_loop3A_352 : i32 to vector<16xi32>
      %parallel_loop3A_354 = arith.cmpi ult, %parallel_loop3A_348, %parallel_loop3A_353 : vector<16xi32>
      %parallel_loop3A_355 = arith.constant 0 : i32
      %parallel_loop3A_356 = arith.cmpi ult, %parallel_loop3A_346, %parallel_loop3A_355 : i32
      %parallel_loop3A_357 = vector.broadcast %parallel_loop3A_356 : i1 to vector<16xi1>
      %parallel_loop3A_358 = vector.broadcast %parallel_loop3A_357 : vector<16xi1> to vector<16xi1>
      %parallel_loop3A_359 = arith.xori %parallel_loop3A_354, %parallel_loop3A_358 : vector<16xi1>
      %parallel_loop3A_360 = arith.andi %parallel_loop3A_359, %parallel_loop3A_351 : vector<16xi1>
      %parallel_loop3A_361 = vector.broadcast %parallel_loop3A_346 : i32 to vector<16xi32>
      %parallel_loop3A_362 = arith.addi %parallel_loop3A_348, %parallel_loop3A_361 : vector<16xi32>
      %parallel_loop3A_363 = arith.select %parallel_loop3A_360, %parallel_loop3A_362, %parallel_loop3A_348 : vector<16xi1>, vector<16xi32>
      %parallel_loop3A_364 = vector.bitcast %parallel_loop3A_363 : vector<16xi32> to vector<16xi32>
      %parallel_loop3A_365 = arith.constant 16 : i32
      %parallel_loop3A_366 = arith.muli %parallel_loop3A_333, %parallel_loop3A_365 : i32
      %parallel_loop3A_367 = arith.index_cast %parallel_loop3A_366 : i32 to index
      %parallel_loop3A_368 = tpu.vector_load %arg6[%parallel_loop3A_367] {strides = array<i32>} : memref<16384xi32, #tpu.memory_space<vmem>>, vector<16xi32>,
      tpu.vector_store %arg6[%parallel_loop3A_367], %parallel_loop3A_364 {strides = array<i32>} : memref<16384xi32, #tpu.memory_space<vmem>>, vector<16xi32>,
    } {sc.loop_unroll_factor = 8 : i64, sc.parallel_access}
    %dma_wait3A = arith.constant 0 : i32
    %dma_wait3A_70 = tpu.memref_slice %arg3[%select_n3A, %mul3A_32, %dma_wait3A] : memref<4x16x100000xf32, #tpu.memory_space<hbm>> -> memref<1x1x100000xf32, #tpu.memory_space<hbm>>
    %dma_wait3A_71 = tpu.memref_squeeze %dma_wait3A_70 : memref<1x1x100000xf32, #tpu.memory_space<hbm>> -> memref<100000xf32, #tpu.memory_space<hbm>>
    %dma_wait3A_72 = arith.constant 0 : i32
    %dma_wait3A_73 = tpu.memref_slice %arg3[%select_n3A, %mul3A_32, %dma_wait3A_72] : memref<4x16x100000xf32, #tpu.memory_space<hbm>> -> memref<1x1x100000xf32, #tpu.memory_space<hbm>>
    %dma_wait3A_74 = tpu.memref_squeeze %dma_wait3A_73 : memref<1x1x100000xf32, #tpu.memory_space<hbm>> -> memref<100000xf32, #tpu.memory_space<hbm>>
    tpu.wait_dma2 semaphore(%arg9 : memref<!tpu.dma_semaphore, #tpu.memory_space<semaphore_mem>>) src(%dma_wait3A_74 : memref<100000xf32, #tpu.memory_space<hbm>>) dst(%arg5 : memref<100000xf32, #tpu.memory_space<vmem>>)
    %mul3A_75 = arith.constant 16 : i32
    %mul3A_76 = arith.muli %select_n3A, %mul3A_75 : i32
    %add3A_77 = arith.addi %mul3A_76, %mul3A_32 : i32
    %add3A_78 = arith.constant 0 : i32
    %add3A_79 = arith.addi %add3A_77, %add3A_78 : i32
    %parallel_loop3A_80 = arith.constant 0 : i32
    %parallel_loop3A_81 = arith.constant 256 : i32
    %parallel_loop3A_82 = arith.constant 1 : i32
    scf.for %parallel_loop3A_333 = %parallel_loop3A_80 to %parallel_loop3A_81 step %parallel_loop3A_82  : i32 {
      %parallel_loop3A_334 = arith.constant 16 : i32
      %parallel_loop3A_335 = arith.muli %parallel_loop3A_333, %parallel_loop3A_334 : i32
      %parallel_loop3A_336 = arith.constant 0 : i32
      %parallel_loop3A_337 = arith.addi %parallel_loop3A_336, %parallel_loop3A_335 : i32
      %parallel_loop3A_338 = arith.index_cast %parallel_loop3A_337 : i32 to index
      %parallel_loop3A_339 = tpu.vector_load %arg6[%parallel_loop3A_338] {strides = array<i32>} : memref<16384xi32, #tpu.memory_space<vmem>>, vector<16xi32>,
      %parallel_loop3A_340 = tpu.vector_load_idx %arg5[%parallel_loop3A_339] : memref<100000xf32, #tpu.memory_space<vmem>>[vector<16xi32>], vector<16xf32>,
      %parallel_loop3A_341 = arith.constant 16 : i32
      %parallel_loop3A_342 = arith.muli %parallel_loop3A_333, %parallel_loop3A_341 : i32
      %parallel_loop3A_343 = arith.constant 0 : i32
      %parallel_loop3A_344 = arith.index_cast %parallel_loop3A_343 : i32 to index
      %parallel_loop3A_345 = arith.index_cast %parallel_loop3A_342 : i32 to index
      %parallel_loop3A_346 = tpu.vector_load %arg7[%parallel_loop3A_344, %parallel_loop3A_345] {strides = array<i32>} : memref<2x4096xf32, #tpu.memory_space<vmem>>, vector<16xf32>,
      tpu.vector_store %arg7[%parallel_loop3A_344, %parallel_loop3A_345], %parallel_loop3A_340 {strides = array<i32>} : memref<2x4096xf32, #tpu.memory_space<vmem>>, vector<16xf32>,
    } {sc.loop_unroll_factor = 8 : i64, sc.parallel_access}
    %dma_start3A_83 = arith.constant 0 : i32
    %dma_start3A_84 = arith.constant 0 : i32
    %dma_start3A_85 = tpu.memref_slice %arg7[%dma_start3A_83, %dma_start3A_84] : memref<2x4096xf32, #tpu.memory_space<vmem>> -> memref<1x4096xf32, #tpu.memory_space<vmem>>
    %dma_start3A_86 = tpu.memref_squeeze %dma_start3A_85 : memref<1x4096xf32, #tpu.memory_space<vmem>> -> memref<4096xf32, #tpu.memory_space<vmem>>
    %dma_start3A_87 = arith.constant 0 : i32
    %dma_start3A_88 = tpu.memref_slice %arg4[%add3A_79, %dma_start3A_87] : memref<64x16384xf32, #tpu.memory_space<hbm>> -> memref<1x4096xf32, #tpu.memory_space<hbm>>
    %dma_start3A_89 = tpu.memref_squeeze %dma_start3A_88 : memref<1x4096xf32, #tpu.memory_space<hbm>> -> memref<4096xf32, #tpu.memory_space<hbm>>
    %dma_start3A_90 = arith.constant 0 : i32
    %dma_start3A_91 = tpu.memref_slice %arg4[%add3A_79, %dma_start3A_90] : memref<64x16384xf32, #tpu.memory_space<hbm>> -> memref<1x4096xf32, #tpu.memory_space<hbm>>
    %dma_start3A_92 = tpu.memref_squeeze %dma_start3A_91 : memref<1x4096xf32, #tpu.memory_space<hbm>> -> memref<4096xf32, #tpu.memory_space<hbm>>
    %dma_start3A_93 = arith.constant 0 : i32
    %dma_start3A_94 = tpu.memref_slice %arg7[%dma_start3A_83, %dma_start3A_93] : memref<2x4096xf32, #tpu.memory_space<vmem>> -> memref<1x4096xf32, #tpu.memory_space<vmem>>
    %dma_start3A_95 = tpu.memref_squeeze %dma_start3A_94 : memref<1x4096xf32, #tpu.memory_space<vmem>> -> memref<4096xf32, #tpu.memory_space<vmem>>
    tpu.enqueue_dma source(%dma_start3A_95 : memref<4096xf32, #tpu.memory_space<vmem>>) target(%dma_start3A_92 : memref<4096xf32, #tpu.memory_space<hbm>>) target_semaphore(%arg10 : memref<!tpu.dma_semaphore, #tpu.memory_space<semaphore_mem>>)
    %parallel_loop3A_96 = arith.constant 0 : i32
    %parallel_loop3A_97 = arith.constant 256 : i32
    %parallel_loop3A_98 = arith.constant 1 : i32
    scf.for %parallel_loop3A_333 = %parallel_loop3A_96 to %parallel_loop3A_97 step %parallel_loop3A_98  : i32 {
      %parallel_loop3A_334 = arith.constant 16 : i32
      %parallel_loop3A_335 = arith.muli %parallel_loop3A_333, %parallel_loop3A_334 : i32
      %parallel_loop3A_336 = arith.constant 4096 : i32
      %parallel_loop3A_337 = arith.addi %parallel_loop3A_336, %parallel_loop3A_335 : i32
      %parallel_loop3A_338 = arith.index_cast %parallel_loop3A_337 : i32 to index
      %parallel_loop3A_339 = tpu.vector_load %arg6[%parallel_loop3A_338] {strides = array<i32>} : memref<16384xi32, #tpu.memory_space<vmem>>, vector<16xi32>,
      %parallel_loop3A_340 = tpu.vector_load_idx %arg5[%parallel_loop3A_339] : memref<100000xf32, #tpu.memory_space<vmem>>[vector<16xi32>], vector<16xf32>,
      %parallel_loop3A_341 = arith.constant 16 : i32
      %parallel_loop3A_342 = arith.muli %parallel_loop3A_333, %parallel_loop3A_341 : i32
      %parallel_loop3A_343 = arith.constant 1 : i32
      %parallel_loop3A_344 = arith.index_cast %parallel_loop3A_343 : i32 to index
      %parallel_loop3A_345 = arith.index_cast %parallel_loop3A_342 : i32 to index
      %parallel_loop3A_346 = tpu.vector_load %arg7[%parallel_loop3A_344, %parallel_loop3A_345] {strides = array<i32>} : memref<2x4096xf32, #tpu.memory_space<vmem>>, vector<16xf32>,
      tpu.vector_store %arg7[%parallel_loop3A_344, %parallel_loop3A_345], %parallel_loop3A_340 {strides = array<i32>} : memref<2x4096xf32, #tpu.memory_space<vmem>>, vector<16xf32>,
    } {sc.loop_unroll_factor = 8 : i64, sc.parallel_access}
    %dma_start3A_99 = arith.constant 1 : i32
    %dma_start3A_100 = arith.constant 0 : i32
    %dma_start3A_101 = tpu.memref_slice %arg7[%dma_start3A_99, %dma_start3A_100] : memref<2x4096xf32, #tpu.memory_space<vmem>> -> memref<1x4096xf32, #tpu.memory_space<vmem>>
    %dma_start3A_102 = tpu.memref_squeeze %dma_start3A_101 : memref<1x4096xf32, #tpu.memory_space<vmem>> -> memref<4096xf32, #tpu.memory_space<vmem>>
    %dma_start3A_103 = arith.constant 4096 : i32
    %dma_start3A_104 = tpu.memref_slice %arg4[%add3A_79, %dma_start3A_103] : memref<64x16384xf32, #tpu.memory_space<hbm>> -> memref<1x4096xf32, #tpu.memory_space<hbm>>
    %dma_start3A_105 = tpu.memref_squeeze %dma_start3A_104 : memref<1x4096xf32, #tpu.memory_space<hbm>> -> memref<4096xf32, #tpu.memory_space<hbm>>
    %dma_start3A_106 = arith.constant 4096 : i32
    %dma_start3A_107 = tpu.memref_slice %arg4[%add3A_79, %dma_start3A_106] : memref<64x16384xf32, #tpu.memory_space<hbm>> -> memref<1x4096xf32, #tpu.memory_space<hbm>>
    %dma_start3A_108 = tpu.memref_squeeze %dma_start3A_107 : memref<1x4096xf32, #tpu.memory_space<hbm>> -> memref<4096xf32, #tpu.memory_space<hbm>>
    %dma_start3A_109 = arith.constant 0 : i32
    %dma_start3A_110 = tpu.memref_slice %arg7[%dma_start3A_99, %dma_start3A_109] : memref<2x4096xf32, #tpu.memory_space<vmem>> -> memref<1x4096xf32, #tpu.memory_space<vmem>>
    %dma_start3A_111 = tpu.memref_squeeze %dma_start3A_110 : memref<1x4096xf32, #tpu.memory_space<vmem>> -> memref<4096xf32, #tpu.memory_space<vmem>>
    tpu.enqueue_dma source(%dma_start3A_111 : memref<4096xf32, #tpu.memory_space<vmem>>) target(%dma_start3A_108 : memref<4096xf32, #tpu.memory_space<hbm>>) target_semaphore(%arg10 : memref<!tpu.dma_semaphore, #tpu.memory_space<semaphore_mem>>)
    %dma_wait3A_112 = arith.constant 0 : i32
    %dma_wait3A_113 = arith.constant 0 : i32
    %dma_wait3A_114 = tpu.memref_slice %arg7[%dma_wait3A_112, %dma_wait3A_113] : memref<2x4096xf32, #tpu.memory_space<vmem>> -> memref<1x4096xf32, #tpu.memory_space<vmem>>
    %dma_wait3A_115 = tpu.memref_squeeze %dma_wait3A_114 : memref<1x4096xf32, #tpu.memory_space<vmem>> -> memref<4096xf32, #tpu.memory_space<vmem>>
    %dma_wait3A_116 = arith.constant 0 : i32
    %dma_wait3A_117 = tpu.memref_slice %arg4[%add3A_79, %dma_wait3A_116] : memref<64x16384xf32, #tpu.memory_space<hbm>> -> memref<1x4096xf32, #tpu.memory_space<hbm>>
    %dma_wait3A_118 = tpu.memref_squeeze %dma_wait3A_117 : memref<1x4096xf32, #tpu.memory_space<hbm>> -> memref<4096xf32, #tpu.memory_space<hbm>>
    %dma_wait3A_119 = arith.constant 0 : i32
    %dma_wait3A_120 = tpu.memref_slice %arg4[%add3A_79, %dma_wait3A_119] : memref<64x16384xf32, #tpu.memory_space<hbm>> -> memref<1x4096xf32, #tpu.memory_space<hbm>>
    %dma_wait3A_121 = tpu.memref_squeeze %dma_wait3A_120 : memref<1x4096xf32, #tpu.memory_space<hbm>> -> memref<4096xf32, #tpu.memory_space<hbm>>
    %dma_wait3A_122 = arith.constant 0 : i32
    %dma_wait3A_123 = tpu.memref_slice %arg7[%dma_wait3A_112, %dma_wait3A_122] : memref<2x4096xf32, #tpu.memory_space<vmem>> -> memref<1x4096xf32, #tpu.memory_space<vmem>>
    %dma_wait3A_124 = tpu.memref_squeeze %dma_wait3A_123 : memref<1x4096xf32, #tpu.memory_space<vmem>> -> memref<4096xf32, #tpu.memory_space<vmem>>
    tpu.wait_dma2 semaphore(%arg10 : memref<!tpu.dma_semaphore, #tpu.memory_space<semaphore_mem>>) src(%dma_wait3A_124 : memref<4096xf32, #tpu.memory_space<vmem>>) dst(%dma_wait3A_121 : memref<4096xf32, #tpu.memory_space<hbm>>)
    %parallel_loop3A_125 = arith.constant 0 : i32
    %parallel_loop3A_126 = arith.constant 256 : i32
    %parallel_loop3A_127 = arith.constant 1 : i32
    scf.for %parallel_loop3A_333 = %parallel_loop3A_125 to %parallel_loop3A_126 step %parallel_loop3A_127  : i32 {
      %parallel_loop3A_334 = arith.constant 16 : i32
      %parallel_loop3A_335 = arith.muli %parallel_loop3A_333, %parallel_loop3A_334 : i32
      %parallel_loop3A_336 = arith.constant 8192 : i32
      %parallel_loop3A_337 = arith.addi %parallel_loop3A_336, %parallel_loop3A_335 : i32
      %parallel_loop3A_338 = arith.index_cast %parallel_loop3A_337 : i32 to index
      %parallel_loop3A_339 = tpu.vector_load %arg6[%parallel_loop3A_338] {strides = array<i32>} : memref<16384xi32, #tpu.memory_space<vmem>>, vector<16xi32>,
      %parallel_loop3A_340 = tpu.vector_load_idx %arg5[%parallel_loop3A_339] : memref<100000xf32, #tpu.memory_space<vmem>>[vector<16xi32>], vector<16xf32>,
      %parallel_loop3A_341 = arith.constant 16 : i32
      %parallel_loop3A_342 = arith.muli %parallel_loop3A_333, %parallel_loop3A_341 : i32
      %parallel_loop3A_343 = arith.constant 0 : i32
      %parallel_loop3A_344 = arith.index_cast %parallel_loop3A_343 : i32 to index
      %parallel_loop3A_345 = arith.index_cast %parallel_loop3A_342 : i32 to index
      %parallel_loop3A_346 = tpu.vector_load %arg7[%parallel_loop3A_344, %parallel_loop3A_345] {strides = array<i32>} : memref<2x4096xf32, #tpu.memory_space<vmem>>, vector<16xf32>,
      tpu.vector_store %arg7[%parallel_loop3A_344, %parallel_loop3A_345], %parallel_loop3A_340 {strides = array<i32>} : memref<2x4096xf32, #tpu.memory_space<vmem>>, vector<16xf32>,
    } {sc.loop_unroll_factor = 8 : i64, sc.parallel_access}
    %dma_start3A_128 = arith.constant 0 : i32
    %dma_start3A_129 = arith.constant 0 : i32
    %dma_start3A_130 = tpu.memref_slice %arg7[%dma_start3A_128, %dma_start3A_129] : memref<2x4096xf32, #tpu.memory_space<vmem>> -> memref<1x4096xf32, #tpu.memory_space<vmem>>
    %dma_start3A_131 = tpu.memref_squeeze %dma_start3A_130 : memref<1x4096xf32, #tpu.memory_space<vmem>> -> memref<4096xf32, #tpu.memory_space<vmem>>
    %dma_start3A_132 = arith.constant 8192 : i32
    %dma_start3A_133 = tpu.memref_slice %arg4[%add3A_79, %dma_start3A_132] : memref<64x16384xf32, #tpu.memory_space<hbm>> -> memref<1x4096xf32, #tpu.memory_space<hbm>>
    %dma_start3A_134 = tpu.memref_squeeze %dma_start3A_133 : memref<1x4096xf32, #tpu.memory_space<hbm>> -> memref<4096xf32, #tpu.memory_space<hbm>>
    %dma_start3A_135 = arith.constant 8192 : i32
    %dma_start3A_136 = tpu.memref_slice %arg4[%add3A_79, %dma_start3A_135] : memref<64x16384xf32, #tpu.memory_space<hbm>> -> memref<1x4096xf32, #tpu.memory_space<hbm>>
    %dma_start3A_137 = tpu.memref_squeeze %dma_start3A_136 : memref<1x4096xf32, #tpu.memory_space<hbm>> -> memref<4096xf32, #tpu.memory_space<hbm>>
    %dma_start3A_138 = arith.constant 0 : i32
    %dma_start3A_139 = tpu.memref_slice %arg7[%dma_start3A_128, %dma_start3A_138] : memref<2x4096xf32, #tpu.memory_space<vmem>> -> memref<1x4096xf32, #tpu.memory_space<vmem>>
    %dma_start3A_140 = tpu.memref_squeeze %dma_start3A_139 : memref<1x4096xf32, #tpu.memory_space<vmem>> -> memref<4096xf32, #tpu.memory_space<vmem>>
    tpu.enqueue_dma source(%dma_start3A_140 : memref<4096xf32, #tpu.memory_space<vmem>>) target(%dma_start3A_137 : memref<4096xf32, #tpu.memory_space<hbm>>) target_semaphore(%arg10 : memref<!tpu.dma_semaphore, #tpu.memory_space<semaphore_mem>>)
    %dma_wait3A_141 = arith.constant 1 : i32
    %dma_wait3A_142 = arith.constant 0 : i32
    %dma_wait3A_143 = tpu.memref_slice %arg7[%dma_wait3A_141, %dma_wait3A_142] : memref<2x4096xf32, #tpu.memory_space<vmem>> -> memref<1x4096xf32, #tpu.memory_space<vmem>>
    %dma_wait3A_144 = tpu.memref_squeeze %dma_wait3A_143 : memref<1x4096xf32, #tpu.memory_space<vmem>> -> memref<4096xf32, #tpu.memory_space<vmem>>
    %dma_wait3A_145 = arith.constant 4096 : i32
    %dma_wait3A_146 = tpu.memref_slice %arg4[%add3A_79, %dma_wait3A_145] : memref<64x16384xf32, #tpu.memory_space<hbm>> -> memref<1x4096xf32, #tpu.memory_space<hbm>>
    %dma_wait3A_147 = tpu.memref_squeeze %dma_wait3A_146 : memref<1x4096xf32, #tpu.memory_space<hbm>> -> memref<4096xf32, #tpu.memory_space<hbm>>
    %dma_wait3A_148 = arith.constant 4096 : i32
    %dma_wait3A_149 = tpu.memref_slice %arg4[%add3A_79, %dma_wait3A_148] : memref<64x16384xf32, #tpu.memory_space<hbm>> -> memref<1x4096xf32, #tpu.memory_space<hbm>>
    %dma_wait3A_150 = tpu.memref_squeeze %dma_wait3A_149 : memref<1x4096xf32, #tpu.memory_space<hbm>> -> memref<4096xf32, #tpu.memory_space<hbm>>
    %dma_wait3A_151 = arith.constant 0 : i32
    %dma_wait3A_152 = tpu.memref_slice %arg7[%dma_wait3A_141, %dma_wait3A_151] : memref<2x4096xf32, #tpu.memory_space<vmem>> -> memref<1x4096xf32, #tpu.memory_space<vmem>>
    %dma_wait3A_153 = tpu.memref_squeeze %dma_wait3A_152 : memref<1x4096xf32, #tpu.memory_space<vmem>> -> memref<4096xf32, #tpu.memory_space<vmem>>
    tpu.wait_dma2 semaphore(%arg10 : memref<!tpu.dma_semaphore, #tpu.memory_space<semaphore_mem>>) src(%dma_wait3A_153 : memref<4096xf32, #tpu.memory_space<vmem>>) dst(%dma_wait3A_150 : memref<4096xf32, #tpu.memory_space<hbm>>)
    %parallel_loop3A_154 = arith.constant 0 : i32
    %parallel_loop3A_155 = arith.constant 256 : i32
    %parallel_loop3A_156 = arith.constant 1 : i32
    scf.for %parallel_loop3A_333 = %parallel_loop3A_154 to %parallel_loop3A_155 step %parallel_loop3A_156  : i32 {
      %parallel_loop3A_334 = arith.constant 16 : i32
      %parallel_loop3A_335 = arith.muli %parallel_loop3A_333, %parallel_loop3A_334 : i32
      %parallel_loop3A_336 = arith.constant 12288 : i32
      %parallel_loop3A_337 = arith.addi %parallel_loop3A_336, %parallel_loop3A_335 : i32
      %parallel_loop3A_338 = arith.index_cast %parallel_loop3A_337 : i32 to index
      %parallel_loop3A_339 = tpu.vector_load %arg6[%parallel_loop3A_338] {strides = array<i32>} : memref<16384xi32, #tpu.memory_space<vmem>>, vector<16xi32>,
      %parallel_loop3A_340 = tpu.vector_load_idx %arg5[%parallel_loop3A_339] : memref<100000xf32, #tpu.memory_space<vmem>>[vector<16xi32>], vector<16xf32>,
      %parallel_loop3A_341 = arith.constant 16 : i32
      %parallel_loop3A_342 = arith.muli %parallel_loop3A_333, %parallel_loop3A_341 : i32
      %parallel_loop3A_343 = arith.constant 1 : i32
      %parallel_loop3A_344 = arith.index_cast %parallel_loop3A_343 : i32 to index
      %parallel_loop3A_345 = arith.index_cast %parallel_loop3A_342 : i32 to index
      %parallel_loop3A_346 = tpu.vector_load %arg7[%parallel_loop3A_344, %parallel_loop3A_345] {strides = array<i32>} : memref<2x4096xf32, #tpu.memory_space<vmem>>, vector<16xf32>,
      tpu.vector_store %arg7[%parallel_loop3A_344, %parallel_loop3A_345], %parallel_loop3A_340 {strides = array<i32>} : memref<2x4096xf32, #tpu.memory_space<vmem>>, vector<16xf32>,
    } {sc.loop_unroll_factor = 8 : i64, sc.parallel_access}
    %dma_start3A_157 = arith.constant 1 : i32
    %dma_start3A_158 = arith.constant 0 : i32
    %dma_start3A_159 = tpu.memref_slice %arg7[%dma_start3A_157, %dma_start3A_158] : memref<2x4096xf32, #tpu.memory_space<vmem>> -> memref<1x4096xf32, #tpu.memory_space<vmem>>
    %dma_start3A_160 = tpu.memref_squeeze %dma_start3A_159 : memref<1x4096xf32, #tpu.memory_space<vmem>> -> memref<4096xf32, #tpu.memory_space<vmem>>
    %dma_start3A_161 = arith.constant 12288 : i32
    %dma_start3A_162 = tpu.memref_slice %arg4[%add3A_79, %dma_start3A_161] : memref<64x16384xf32, #tpu.memory_space<hbm>> -> memref<1x4096xf32, #tpu.memory_space<hbm>>
    %dma_start3A_163 = tpu.memref_squeeze %dma_start3A_162 : memref<1x4096xf32, #tpu.memory_space<hbm>> -> memref<4096xf32, #tpu.memory_space<hbm>>
    %dma_start3A_164 = arith.constant 12288 : i32
    %dma_start3A_165 = tpu.memref_slice %arg4[%add3A_79, %dma_start3A_164] : memref<64x16384xf32, #tpu.memory_space<hbm>> -> memref<1x4096xf32, #tpu.memory_space<hbm>>
    %dma_start3A_166 = tpu.memref_squeeze %dma_start3A_165 : memref<1x4096xf32, #tpu.memory_space<hbm>> -> memref<4096xf32, #tpu.memory_space<hbm>>
    %dma_start3A_167 = arith.constant 0 : i32
    %dma_start3A_168 = tpu.memref_slice %arg7[%dma_start3A_157, %dma_start3A_167] : memref<2x4096xf32, #tpu.memory_space<vmem>> -> memref<1x4096xf32, #tpu.memory_space<vmem>>
    %dma_start3A_169 = tpu.memref_squeeze %dma_start3A_168 : memref<1x4096xf32, #tpu.memory_space<vmem>> -> memref<4096xf32, #tpu.memory_space<vmem>>
    tpu.enqueue_dma source(%dma_start3A_169 : memref<4096xf32, #tpu.memory_space<vmem>>) target(%dma_start3A_166 : memref<4096xf32, #tpu.memory_space<hbm>>) target_semaphore(%arg10 : memref<!tpu.dma_semaphore, #tpu.memory_space<semaphore_mem>>)
    %add3A_170 = arith.constant 0 : i32
    %add3A_171 = arith.addi %mul3A_32, %add3A_170 : i32
    %add3A_172 = arith.constant 1 : i32
    %add3A_173 = arith.addi %add3A_171, %add3A_172 : i32
    %dma_start3A_174 = arith.constant 0 : i32
    %dma_start3A_175 = tpu.memref_slice %arg3[%select_n3A, %add3A_173, %dma_start3A_174] : memref<4x16x100000xf32, #tpu.memory_space<hbm>> -> memref<1x1x100000xf32, #tpu.memory_space<hbm>>
    %dma_start3A_176 = tpu.memref_squeeze %dma_start3A_175 : memref<1x1x100000xf32, #tpu.memory_space<hbm>> -> memref<100000xf32, #tpu.memory_space<hbm>>
    %dma_start3A_177 = arith.constant 0 : i32
    %dma_start3A_178 = tpu.memref_slice %arg3[%select_n3A, %add3A_173, %dma_start3A_177] : memref<4x16x100000xf32, #tpu.memory_space<hbm>> -> memref<1x1x100000xf32, #tpu.memory_space<hbm>>
    %dma_start3A_179 = tpu.memref_squeeze %dma_start3A_178 : memref<1x1x100000xf32, #tpu.memory_space<hbm>> -> memref<100000xf32, #tpu.memory_space<hbm>>
    tpu.enqueue_dma source(%dma_start3A_179 : memref<100000xf32, #tpu.memory_space<hbm>>) target(%arg5 : memref<100000xf32, #tpu.memory_space<vmem>>) target_semaphore(%arg9 : memref<!tpu.dma_semaphore, #tpu.memory_space<semaphore_mem>>)
    %dma_wait3A_180 = arith.constant 0 : i32
    %dma_wait3A_181 = tpu.memref_slice %arg3[%select_n3A, %add3A_173, %dma_wait3A_180] : memref<4x16x100000xf32, #tpu.memory_space<hbm>> -> memref<1x1x100000xf32, #tpu.memory_space<hbm>>
    %dma_wait3A_182 = tpu.memref_squeeze %dma_wait3A_181 : memref<1x1x100000xf32, #tpu.memory_space<hbm>> -> memref<100000xf32, #tpu.memory_space<hbm>>
    %dma_wait3A_183 = arith.constant 0 : i32
    %dma_wait3A_184 = tpu.memref_slice %arg3[%select_n3A, %add3A_173, %dma_wait3A_183] : memref<4x16x100000xf32, #tpu.memory_space<hbm>> -> memref<1x1x100000xf32, #tpu.memory_space<hbm>>
    %dma_wait3A_185 = tpu.memref_squeeze %dma_wait3A_184 : memref<1x1x100000xf32, #tpu.memory_space<hbm>> -> memref<100000xf32, #tpu.memory_space<hbm>>
    tpu.wait_dma2 semaphore(%arg9 : memref<!tpu.dma_semaphore, #tpu.memory_space<semaphore_mem>>) src(%dma_wait3A_185 : memref<100000xf32, #tpu.memory_space<hbm>>) dst(%arg5 : memref<100000xf32, #tpu.memory_space<vmem>>)
    %mul3A_186 = arith.constant 16 : i32
    %mul3A_187 = arith.muli %select_n3A, %mul3A_186 : i32
    %add3A_188 = arith.addi %mul3A_187, %mul3A_32 : i32
    %add3A_189 = arith.constant 1 : i32
    %add3A_190 = arith.addi %add3A_188, %add3A_189 : i32
    %dma_wait3A_191 = arith.constant 0 : i32
    %dma_wait3A_192 = arith.constant 0 : i32
    %dma_wait3A_193 = tpu.memref_slice %arg7[%dma_wait3A_191, %dma_wait3A_192] : memref<2x4096xf32, #tpu.memory_space<vmem>> -> memref<1x4096xf32, #tpu.memory_space<vmem>>
    %dma_wait3A_194 = tpu.memref_squeeze %dma_wait3A_193 : memref<1x4096xf32, #tpu.memory_space<vmem>> -> memref<4096xf32, #tpu.memory_space<vmem>>
    %dma_wait3A_195 = arith.constant 8192 : i32
    %dma_wait3A_196 = tpu.memref_slice %arg4[%add3A_79, %dma_wait3A_195] : memref<64x16384xf32, #tpu.memory_space<hbm>> -> memref<1x4096xf32, #tpu.memory_space<hbm>>
    %dma_wait3A_197 = tpu.memref_squeeze %dma_wait3A_196 : memref<1x4096xf32, #tpu.memory_space<hbm>> -> memref<4096xf32, #tpu.memory_space<hbm>>
    %dma_wait3A_198 = arith.constant 8192 : i32
    %dma_wait3A_199 = tpu.memref_slice %arg4[%add3A_79, %dma_wait3A_198] : memref<64x16384xf32, #tpu.memory_space<hbm>> -> memref<1x4096xf32, #tpu.memory_space<hbm>>
    %dma_wait3A_200 = tpu.memref_squeeze %dma_wait3A_199 : memref<1x4096xf32, #tpu.memory_space<hbm>> -> memref<4096xf32, #tpu.memory_space<hbm>>
    %dma_wait3A_201 = arith.constant 0 : i32
    %dma_wait3A_202 = tpu.memref_slice %arg7[%dma_wait3A_191, %dma_wait3A_201] : memref<2x4096xf32, #tpu.memory_space<vmem>> -> memref<1x4096xf32, #tpu.memory_space<vmem>>
    %dma_wait3A_203 = tpu.memref_squeeze %dma_wait3A_202 : memref<1x4096xf32, #tpu.memory_space<vmem>> -> memref<4096xf32, #tpu.memory_space<vmem>>
    tpu.wait_dma2 semaphore(%arg10 : memref<!tpu.dma_semaphore, #tpu.memory_space<semaphore_mem>>) src(%dma_wait3A_203 : memref<4096xf32, #tpu.memory_space<vmem>>) dst(%dma_wait3A_200 : memref<4096xf32, #tpu.memory_space<hbm>>)
    %parallel_loop3A_204 = arith.constant 0 : i32
    %parallel_loop3A_205 = arith.constant 256 : i32
    %parallel_loop3A_206 = arith.constant 1 : i32
    scf.for %parallel_loop3A_333 = %parallel_loop3A_204 to %parallel_loop3A_205 step %parallel_loop3A_206  : i32 {
      %parallel_loop3A_334 = arith.constant 16 : i32
      %parallel_loop3A_335 = arith.muli %parallel_loop3A_333, %parallel_loop3A_334 : i32
      %parallel_loop3A_336 = arith.constant 0 : i32
      %parallel_loop3A_337 = arith.addi %parallel_loop3A_336, %parallel_loop3A_335 : i32
      %parallel_loop3A_338 = arith.index_cast %parallel_loop3A_337 : i32 to index
      %parallel_loop3A_339 = tpu.vector_load %arg6[%parallel_loop3A_338] {strides = array<i32>} : memref<16384xi32, #tpu.memory_space<vmem>>, vector<16xi32>,
      %parallel_loop3A_340 = tpu.vector_load_idx %arg5[%parallel_loop3A_339] : memref<100000xf32, #tpu.memory_space<vmem>>[vector<16xi32>], vector<16xf32>,
      %parallel_loop3A_341 = arith.constant 16 : i32
      %parallel_loop3A_342 = arith.muli %parallel_loop3A_333, %parallel_loop3A_341 : i32
      %parallel_loop3A_343 = arith.constant 0 : i32
      %parallel_loop3A_344 = arith.index_cast %parallel_loop3A_343 : i32 to index
      %parallel_loop3A_345 = arith.index_cast %parallel_loop3A_342 : i32 to index
      %parallel_loop3A_346 = tpu.vector_load %arg7[%parallel_loop3A_344, %parallel_loop3A_345] {strides = array<i32>} : memref<2x4096xf32, #tpu.memory_space<vmem>>, vector<16xf32>,
      tpu.vector_store %arg7[%parallel_loop3A_344, %parallel_loop3A_345], %parallel_loop3A_340 {strides = array<i32>} : memref<2x4096xf32, #tpu.memory_space<vmem>>, vector<16xf32>,
    } {sc.loop_unroll_factor = 8 : i64, sc.parallel_access}
    %dma_start3A_207 = arith.constant 0 : i32
    %dma_start3A_208 = arith.constant 0 : i32
    %dma_start3A_209 = tpu.memref_slice %arg7[%dma_start3A_207, %dma_start3A_208] : memref<2x4096xf32, #tpu.memory_space<vmem>> -> memref<1x4096xf32, #tpu.memory_space<vmem>>
    %dma_start3A_210 = tpu.memref_squeeze %dma_start3A_209 : memref<1x4096xf32, #tpu.memory_space<vmem>> -> memref<4096xf32, #tpu.memory_space<vmem>>
    %dma_start3A_211 = arith.constant 0 : i32
    %dma_start3A_212 = tpu.memref_slice %arg4[%add3A_190, %dma_start3A_211] : memref<64x16384xf32, #tpu.memory_space<hbm>> -> memref<1x4096xf32, #tpu.memory_space<hbm>>
    %dma_start3A_213 = tpu.memref_squeeze %dma_start3A_212 : memref<1x4096xf32, #tpu.memory_space<hbm>> -> memref<4096xf32, #tpu.memory_space<hbm>>
    %dma_start3A_214 = arith.constant 0 : i32
    %dma_start3A_215 = tpu.memref_slice %arg4[%add3A_190, %dma_start3A_214] : memref<64x16384xf32, #tpu.memory_space<hbm>> -> memref<1x4096xf32, #tpu.memory_space<hbm>>
    %dma_start3A_216 = tpu.memref_squeeze %dma_start3A_215 : memref<1x4096xf32, #tpu.memory_space<hbm>> -> memref<4096xf32, #tpu.memory_space<hbm>>
    %dma_start3A_217 = arith.constant 0 : i32
    %dma_start3A_218 = tpu.memref_slice %arg7[%dma_start3A_207, %dma_start3A_217] : memref<2x4096xf32, #tpu.memory_space<vmem>> -> memref<1x4096xf32, #tpu.memory_space<vmem>>
    %dma_start3A_219 = tpu.memref_squeeze %dma_start3A_218 : memref<1x4096xf32, #tpu.memory_space<vmem>> -> memref<4096xf32, #tpu.memory_space<vmem>>
    tpu.enqueue_dma source(%dma_start3A_219 : memref<4096xf32, #tpu.memory_space<vmem>>) target(%dma_start3A_216 : memref<4096xf32, #tpu.memory_space<hbm>>) target_semaphore(%arg10 : memref<!tpu.dma_semaphore, #tpu.memory_space<semaphore_mem>>)
    %dma_wait3A_220 = arith.constant 1 : i32
    %dma_wait3A_221 = arith.constant 0 : i32
    %dma_wait3A_222 = tpu.memref_slice %arg7[%dma_wait3A_220, %dma_wait3A_221] : memref<2x4096xf32, #tpu.memory_space<vmem>> -> memref<1x4096xf32, #tpu.memory_space<vmem>>
    %dma_wait3A_223 = tpu.memref_squeeze %dma_wait3A_222 : memref<1x4096xf32, #tpu.memory_space<vmem>> -> memref<4096xf32, #tpu.memory_space<vmem>>
    %dma_wait3A_224 = arith.constant 12288 : i32
    %dma_wait3A_225 = tpu.memref_slice %arg4[%add3A_79, %dma_wait3A_224] : memref<64x16384xf32, #tpu.memory_space<hbm>> -> memref<1x4096xf32, #tpu.memory_space<hbm>>
    %dma_wait3A_226 = tpu.memref_squeeze %dma_wait3A_225 : memref<1x4096xf32, #tpu.memory_space<hbm>> -> memref<4096xf32, #tpu.memory_space<hbm>>
    %dma_wait3A_227 = arith.constant 12288 : i32
    %dma_wait3A_228 = tpu.memref_slice %arg4[%add3A_79, %dma_wait3A_227] : memref<64x16384xf32, #tpu.memory_space<hbm>> -> memref<1x4096xf32, #tpu.memory_space<hbm>>
    %dma_wait3A_229 = tpu.memref_squeeze %dma_wait3A_228 : memref<1x4096xf32, #tpu.memory_space<hbm>> -> memref<4096xf32, #tpu.memory_space<hbm>>
    %dma_wait3A_230 = arith.constant 0 : i32
    %dma_wait3A_231 = tpu.memref_slice %arg7[%dma_wait3A_220, %dma_wait3A_230] : memref<2x4096xf32, #tpu.memory_space<vmem>> -> memref<1x4096xf32, #tpu.memory_space<vmem>>
    %dma_wait3A_232 = tpu.memref_squeeze %dma_wait3A_231 : memref<1x4096xf32, #tpu.memory_space<vmem>> -> memref<4096xf32, #tpu.memory_space<vmem>>
    tpu.wait_dma2 semaphore(%arg10 : memref<!tpu.dma_semaphore, #tpu.memory_space<semaphore_mem>>) src(%dma_wait3A_232 : memref<4096xf32, #tpu.memory_space<vmem>>) dst(%dma_wait3A_229 : memref<4096xf32, #tpu.memory_space<hbm>>)
    %parallel_loop3A_233 = arith.constant 0 : i32
    %parallel_loop3A_234 = arith.constant 256 : i32
    %parallel_loop3A_235 = arith.constant 1 : i32
    scf.for %parallel_loop3A_333 = %parallel_loop3A_233 to %parallel_loop3A_234 step %parallel_loop3A_235  : i32 {
      %parallel_loop3A_334 = arith.constant 16 : i32
      %parallel_loop3A_335 = arith.muli %parallel_loop3A_333, %parallel_loop3A_334 : i32
      %parallel_loop3A_336 = arith.constant 4096 : i32
      %parallel_loop3A_337 = arith.addi %parallel_loop3A_336, %parallel_loop3A_335 : i32
      %parallel_loop3A_338 = arith.index_cast %parallel_loop3A_337 : i32 to index
      %parallel_loop3A_339 = tpu.vector_load %arg6[%parallel_loop3A_338] {strides = array<i32>} : memref<16384xi32, #tpu.memory_space<vmem>>, vector<16xi32>,
      %parallel_loop3A_340 = tpu.vector_load_idx %arg5[%parallel_loop3A_339] : memref<100000xf32, #tpu.memory_space<vmem>>[vector<16xi32>], vector<16xf32>,
      %parallel_loop3A_341 = arith.constant 16 : i32
      %parallel_loop3A_342 = arith.muli %parallel_loop3A_333, %parallel_loop3A_341 : i32
      %parallel_loop3A_343 = arith.constant 1 : i32
      %parallel_loop3A_344 = arith.index_cast %parallel_loop3A_343 : i32 to index
      %parallel_loop3A_345 = arith.index_cast %parallel_loop3A_342 : i32 to index
      %parallel_loop3A_346 = tpu.vector_load %arg7[%parallel_loop3A_344, %parallel_loop3A_345] {strides = array<i32>} : memref<2x4096xf32, #tpu.memory_space<vmem>>, vector<16xf32>,
      tpu.vector_store %arg7[%parallel_loop3A_344, %parallel_loop3A_345], %parallel_loop3A_340 {strides = array<i32>} : memref<2x4096xf32, #tpu.memory_space<vmem>>, vector<16xf32>,
    } {sc.loop_unroll_factor = 8 : i64, sc.parallel_access}
    %dma_start3A_236 = arith.constant 1 : i32
    %dma_start3A_237 = arith.constant 0 : i32
    %dma_start3A_238 = tpu.memref_slice %arg7[%dma_start3A_236, %dma_start3A_237] : memref<2x4096xf32, #tpu.memory_space<vmem>> -> memref<1x4096xf32, #tpu.memory_space<vmem>>
    %dma_start3A_239 = tpu.memref_squeeze %dma_start3A_238 : memref<1x4096xf32, #tpu.memory_space<vmem>> -> memref<4096xf32, #tpu.memory_space<vmem>>
    %dma_start3A_240 = arith.constant 4096 : i32
    %dma_start3A_241 = tpu.memref_slice %arg4[%add3A_190, %dma_start3A_240] : memref<64x16384xf32, #tpu.memory_space<hbm>> -> memref<1x4096xf32, #tpu.memory_space<hbm>>
    %dma_start3A_242 = tpu.memref_squeeze %dma_start3A_241 : memref<1x4096xf32, #tpu.memory_space<hbm>> -> memref<4096xf32, #tpu.memory_space<hbm>>
    %dma_start3A_243 = arith.constant 4096 : i32
    %dma_start3A_244 = tpu.memref_slice %arg4[%add3A_190, %dma_start3A_243] : memref<64x16384xf32, #tpu.memory_space<hbm>> -> memref<1x4096xf32, #tpu.memory_space<hbm>>
    %dma_start3A_245 = tpu.memref_squeeze %dma_start3A_244 : memref<1x4096xf32, #tpu.memory_space<hbm>> -> memref<4096xf32, #tpu.memory_space<hbm>>
    %dma_start3A_246 = arith.constant 0 : i32
    %dma_start3A_247 = tpu.memref_slice %arg7[%dma_start3A_236, %dma_start3A_246] : memref<2x4096xf32, #tpu.memory_space<vmem>> -> memref<1x4096xf32, #tpu.memory_space<vmem>>
    %dma_start3A_248 = tpu.memref_squeeze %dma_start3A_247 : memref<1x4096xf32, #tpu.memory_space<vmem>> -> memref<4096xf32, #tpu.memory_space<vmem>>
    tpu.enqueue_dma source(%dma_start3A_248 : memref<4096xf32, #tpu.memory_space<vmem>>) target(%dma_start3A_245 : memref<4096xf32, #tpu.memory_space<hbm>>) target_semaphore(%arg10 : memref<!tpu.dma_semaphore, #tpu.memory_space<semaphore_mem>>)
    %dma_wait3A_249 = arith.constant 0 : i32
    %dma_wait3A_250 = arith.constant 0 : i32
    %dma_wait3A_251 = tpu.memref_slice %arg7[%dma_wait3A_249, %dma_wait3A_250] : memref<2x4096xf32, #tpu.memory_space<vmem>> -> memref<1x4096xf32, #tpu.memory_space<vmem>>
    %dma_wait3A_252 = tpu.memref_squeeze %dma_wait3A_251 : memref<1x4096xf32, #tpu.memory_space<vmem>> -> memref<4096xf32, #tpu.memory_space<vmem>>
    %dma_wait3A_253 = arith.constant 0 : i32
    %dma_wait3A_254 = tpu.memref_slice %arg4[%add3A_190, %dma_wait3A_253] : memref<64x16384xf32, #tpu.memory_space<hbm>> -> memref<1x4096xf32, #tpu.memory_space<hbm>>
    %dma_wait3A_255 = tpu.memref_squeeze %dma_wait3A_254 : memref<1x4096xf32, #tpu.memory_space<hbm>> -> memref<4096xf32, #tpu.memory_space<hbm>>
    %dma_wait3A_256 = arith.constant 0 : i32
    %dma_wait3A_257 = tpu.memref_slice %arg4[%add3A_190, %dma_wait3A_256] : memref<64x16384xf32, #tpu.memory_space<hbm>> -> memref<1x4096xf32, #tpu.memory_space<hbm>>
    %dma_wait3A_258 = tpu.memref_squeeze %dma_wait3A_257 : memref<1x4096xf32, #tpu.memory_space<hbm>> -> memref<4096xf32, #tpu.memory_space<hbm>>
    %dma_wait3A_259 = arith.constant 0 : i32
    %dma_wait3A_260 = tpu.memref_slice %arg7[%dma_wait3A_249, %dma_wait3A_259] : memref<2x4096xf32, #tpu.memory_space<vmem>> -> memref<1x4096xf32, #tpu.memory_space<vmem>>
    %dma_wait3A_261 = tpu.memref_squeeze %dma_wait3A_260 : memref<1x4096xf32, #tpu.memory_space<vmem>> -> memref<4096xf32, #tpu.memory_space<vmem>>
    tpu.wait_dma2 semaphore(%arg10 : memref<!tpu.dma_semaphore, #tpu.memory_space<semaphore_mem>>) src(%dma_wait3A_261 : memref<4096xf32, #tpu.memory_space<vmem>>) dst(%dma_wait3A_258 : memref<4096xf32, #tpu.memory_space<hbm>>)
    %parallel_loop3A_262 = arith.constant 0 : i32
    %parallel_loop3A_263 = arith.constant 256 : i32
    %parallel_loop3A_264 = arith.constant 1 : i32
    scf.for %parallel_loop3A_333 = %parallel_loop3A_262 to %parallel_loop3A_263 step %parallel_loop3A_264  : i32 {
      %parallel_loop3A_334 = arith.constant 16 : i32
      %parallel_loop3A_335 = arith.muli %parallel_loop3A_333, %parallel_loop3A_334 : i32
      %parallel_loop3A_336 = arith.constant 8192 : i32
      %parallel_loop3A_337 = arith.addi %parallel_loop3A_336, %parallel_loop3A_335 : i32
      %parallel_loop3A_338 = arith.index_cast %parallel_loop3A_337 : i32 to index
      %parallel_loop3A_339 = tpu.vector_load %arg6[%parallel_loop3A_338] {strides = array<i32>} : memref<16384xi32, #tpu.memory_space<vmem>>, vector<16xi32>,
      %parallel_loop3A_340 = tpu.vector_load_idx %arg5[%parallel_loop3A_339] : memref<100000xf32, #tpu.memory_space<vmem>>[vector<16xi32>], vector<16xf32>,
      %parallel_loop3A_341 = arith.constant 16 : i32
      %parallel_loop3A_342 = arith.muli %parallel_loop3A_333, %parallel_loop3A_341 : i32
      %parallel_loop3A_343 = arith.constant 0 : i32
      %parallel_loop3A_344 = arith.index_cast %parallel_loop3A_343 : i32 to index
      %parallel_loop3A_345 = arith.index_cast %parallel_loop3A_342 : i32 to index
      %parallel_loop3A_346 = tpu.vector_load %arg7[%parallel_loop3A_344, %parallel_loop3A_345] {strides = array<i32>} : memref<2x4096xf32, #tpu.memory_space<vmem>>, vector<16xf32>,
      tpu.vector_store %arg7[%parallel_loop3A_344, %parallel_loop3A_345], %parallel_loop3A_340 {strides = array<i32>} : memref<2x4096xf32, #tpu.memory_space<vmem>>, vector<16xf32>,
    } {sc.loop_unroll_factor = 8 : i64, sc.parallel_access}
    %dma_start3A_265 = arith.constant 0 : i32
    %dma_start3A_266 = arith.constant 0 : i32
    %dma_start3A_267 = tpu.memref_slice %arg7[%dma_start3A_265, %dma_start3A_266] : memref<2x4096xf32, #tpu.memory_space<vmem>> -> memref<1x4096xf32, #tpu.memory_space<vmem>>
    %dma_start3A_268 = tpu.memref_squeeze %dma_start3A_267 : memref<1x4096xf32, #tpu.memory_space<vmem>> -> memref<4096xf32, #tpu.memory_space<vmem>>
    %dma_start3A_269 = arith.constant 8192 : i32
    %dma_start3A_270 = tpu.memref_slice %arg4[%add3A_190, %dma_start3A_269] : memref<64x16384xf32, #tpu.memory_space<hbm>> -> memref<1x4096xf32, #tpu.memory_space<hbm>>
    %dma_start3A_271 = tpu.memref_squeeze %dma_start3A_270 : memref<1x4096xf32, #tpu.memory_space<hbm>> -> memref<4096xf32, #tpu.memory_space<hbm>>
    %dma_start3A_272 = arith.constant 8192 : i32
    %dma_start3A_273 = tpu.memref_slice %arg4[%add3A_190, %dma_start3A_272] : memref<64x16384xf32, #tpu.memory_space<hbm>> -> memref<1x4096xf32, #tpu.memory_space<hbm>>
    %dma_start3A_274 = tpu.memref_squeeze %dma_start3A_273 : memref<1x4096xf32, #tpu.memory_space<hbm>> -> memref<4096xf32, #tpu.memory_space<hbm>>
    %dma_start3A_275 = arith.constant 0 : i32
    %dma_start3A_276 = tpu.memref_slice %arg7[%dma_start3A_265, %dma_start3A_275] : memref<2x4096xf32, #tpu.memory_space<vmem>> -> memref<1x4096xf32, #tpu.memory_space<vmem>>
    %dma_start3A_277 = tpu.memref_squeeze %dma_start3A_276 : memref<1x4096xf32, #tpu.memory_space<vmem>> -> memref<4096xf32, #tpu.memory_space<vmem>>
    tpu.enqueue_dma source(%dma_start3A_277 : memref<4096xf32, #tpu.memory_space<vmem>>) target(%dma_start3A_274 : memref<4096xf32, #tpu.memory_space<hbm>>) target_semaphore(%arg10 : memref<!tpu.dma_semaphore, #tpu.memory_space<semaphore_mem>>)
    %dma_wait3A_278 = arith.constant 1 : i32
    %dma_wait3A_279 = arith.constant 0 : i32
    %dma_wait3A_280 = tpu.memref_slice %arg7[%dma_wait3A_278, %dma_wait3A_279] : memref<2x4096xf32, #tpu.memory_space<vmem>> -> memref<1x4096xf32, #tpu.memory_space<vmem>>
    %dma_wait3A_281 = tpu.memref_squeeze %dma_wait3A_280 : memref<1x4096xf32, #tpu.memory_space<vmem>> -> memref<4096xf32, #tpu.memory_space<vmem>>
    %dma_wait3A_282 = arith.constant 4096 : i32
    %dma_wait3A_283 = tpu.memref_slice %arg4[%add3A_190, %dma_wait3A_282] : memref<64x16384xf32, #tpu.memory_space<hbm>> -> memref<1x4096xf32, #tpu.memory_space<hbm>>
    %dma_wait3A_284 = tpu.memref_squeeze %dma_wait3A_283 : memref<1x4096xf32, #tpu.memory_space<hbm>> -> memref<4096xf32, #tpu.memory_space<hbm>>
    %dma_wait3A_285 = arith.constant 4096 : i32
    %dma_wait3A_286 = tpu.memref_slice %arg4[%add3A_190, %dma_wait3A_285] : memref<64x16384xf32, #tpu.memory_space<hbm>> -> memref<1x4096xf32, #tpu.memory_space<hbm>>
    %dma_wait3A_287 = tpu.memref_squeeze %dma_wait3A_286 : memref<1x4096xf32, #tpu.memory_space<hbm>> -> memref<4096xf32, #tpu.memory_space<hbm>>
    %dma_wait3A_288 = arith.constant 0 : i32
    %dma_wait3A_289 = tpu.memref_slice %arg7[%dma_wait3A_278, %dma_wait3A_288] : memref<2x4096xf32, #tpu.memory_space<vmem>> -> memref<1x4096xf32, #tpu.memory_space<vmem>>
    %dma_wait3A_290 = tpu.memref_squeeze %dma_wait3A_289 : memref<1x4096xf32, #tpu.memory_space<vmem>> -> memref<4096xf32, #tpu.memory_space<vmem>>
    tpu.wait_dma2 semaphore(%arg10 : memref<!tpu.dma_semaphore, #tpu.memory_space<semaphore_mem>>) src(%dma_wait3A_290 : memref<4096xf32, #tpu.memory_space<vmem>>) dst(%dma_wait3A_287 : memref<4096xf32, #tpu.memory_space<hbm>>)
    %parallel_loop3A_291 = arith.constant 0 : i32
    %parallel_loop3A_292 = arith.constant 256 : i32
    %parallel_loop3A_293 = arith.constant 1 : i32
    scf.for %parallel_loop3A_333 = %parallel_loop3A_291 to %parallel_loop3A_292 step %parallel_loop3A_293  : i32 {
      %parallel_loop3A_334 = arith.constant 16 : i32
      %parallel_loop3A_335 = arith.muli %parallel_loop3A_333, %parallel_loop3A_334 : i32
      %parallel_loop3A_336 = arith.constant 12288 : i32
      %parallel_loop3A_337 = arith.addi %parallel_loop3A_336, %parallel_loop3A_335 : i32
      %parallel_loop3A_338 = arith.index_cast %parallel_loop3A_337 : i32 to index
      %parallel_loop3A_339 = tpu.vector_load %arg6[%parallel_loop3A_338] {strides = array<i32>} : memref<16384xi32, #tpu.memory_space<vmem>>, vector<16xi32>,
      %parallel_loop3A_340 = tpu.vector_load_idx %arg5[%parallel_loop3A_339] : memref<100000xf32, #tpu.memory_space<vmem>>[vector<16xi32>], vector<16xf32>,
      %parallel_loop3A_341 = arith.constant 16 : i32
      %parallel_loop3A_342 = arith.muli %parallel_loop3A_333, %parallel_loop3A_341 : i32
      %parallel_loop3A_343 = arith.constant 1 : i32
      %parallel_loop3A_344 = arith.index_cast %parallel_loop3A_343 : i32 to index
      %parallel_loop3A_345 = arith.index_cast %parallel_loop3A_342 : i32 to index
      %parallel_loop3A_346 = tpu.vector_load %arg7[%parallel_loop3A_344, %parallel_loop3A_345] {strides = array<i32>} : memref<2x4096xf32, #tpu.memory_space<vmem>>, vector<16xf32>,
      tpu.vector_store %arg7[%parallel_loop3A_344, %parallel_loop3A_345], %parallel_loop3A_340 {strides = array<i32>} : memref<2x4096xf32, #tpu.memory_space<vmem>>, vector<16xf32>,
    } {sc.loop_unroll_factor = 8 : i64, sc.parallel_access}
    %dma_start3A_294 = arith.constant 1 : i32
    %dma_start3A_295 = arith.constant 0 : i32
    %dma_start3A_296 = tpu.memref_slice %arg7[%dma_start3A_294, %dma_start3A_295] : memref<2x4096xf32, #tpu.memory_space<vmem>> -> memref<1x4096xf32, #tpu.memory_space<vmem>>
    %dma_start3A_297 = tpu.memref_squeeze %dma_start3A_296 : memref<1x4096xf32, #tpu.memory_space<vmem>> -> memref<4096xf32, #tpu.memory_space<vmem>>
    %dma_start3A_298 = arith.constant 12288 : i32
    %dma_start3A_299 = tpu.memref_slice %arg4[%add3A_190, %dma_start3A_298] : memref<64x16384xf32, #tpu.memory_space<hbm>> -> memref<1x4096xf32, #tpu.memory_space<hbm>>
    %dma_start3A_300 = tpu.memref_squeeze %dma_start3A_299 : memref<1x4096xf32, #tpu.memory_space<hbm>> -> memref<4096xf32, #tpu.memory_space<hbm>>
    %dma_start3A_301 = arith.constant 12288 : i32
    %dma_start3A_302 = tpu.memref_slice %arg4[%add3A_190, %dma_start3A_301] : memref<64x16384xf32, #tpu.memory_space<hbm>> -> memref<1x4096xf32, #tpu.memory_space<hbm>>
    %dma_start3A_303 = tpu.memref_squeeze %dma_start3A_302 : memref<1x4096xf32, #tpu.memory_space<hbm>> -> memref<4096xf32, #tpu.memory_space<hbm>>
    %dma_start3A_304 = arith.constant 0 : i32
    %dma_start3A_305 = tpu.memref_slice %arg7[%dma_start3A_294, %dma_start3A_304] : memref<2x4096xf32, #tpu.memory_space<vmem>> -> memref<1x4096xf32, #tpu.memory_space<vmem>>
    %dma_start3A_306 = tpu.memref_squeeze %dma_start3A_305 : memref<1x4096xf32, #tpu.memory_space<vmem>> -> memref<4096xf32, #tpu.memory_space<vmem>>
    tpu.enqueue_dma source(%dma_start3A_306 : memref<4096xf32, #tpu.memory_space<vmem>>) target(%dma_start3A_303 : memref<4096xf32, #tpu.memory_space<hbm>>) target_semaphore(%arg10 : memref<!tpu.dma_semaphore, #tpu.memory_space<semaphore_mem>>)
    %dma_wait3A_307 = arith.constant 0 : i32
    %dma_wait3A_308 = arith.constant 0 : i32
    %dma_wait3A_309 = tpu.memref_slice %arg7[%dma_wait3A_307, %dma_wait3A_308] : memref<2x4096xf32, #tpu.memory_space<vmem>> -> memref<1x4096xf32, #tpu.memory_space<vmem>>
    %dma_wait3A_310 = tpu.memref_squeeze %dma_wait3A_309 : memref<1x4096xf32, #tpu.memory_space<vmem>> -> memref<4096xf32, #tpu.memory_space<vmem>>
    %dma_wait3A_311 = arith.constant 8192 : i32
    %dma_wait3A_312 = tpu.memref_slice %arg4[%add3A_190, %dma_wait3A_311] : memref<64x16384xf32, #tpu.memory_space<hbm>> -> memref<1x4096xf32, #tpu.memory_space<hbm>>
    %dma_wait3A_313 = tpu.memref_squeeze %dma_wait3A_312 : memref<1x4096xf32, #tpu.memory_space<hbm>> -> memref<4096xf32, #tpu.memory_space<hbm>>
    %dma_wait3A_314 = arith.constant 8192 : i32
    %dma_wait3A_315 = tpu.memref_slice %arg4[%add3A_190, %dma_wait3A_314] : memref<64x16384xf32, #tpu.memory_space<hbm>> -> memref<1x4096xf32, #tpu.memory_space<hbm>>
    %dma_wait3A_316 = tpu.memref_squeeze %dma_wait3A_315 : memref<1x4096xf32, #tpu.memory_space<hbm>> -> memref<4096xf32, #tpu.memory_space<hbm>>
    %dma_wait3A_317 = arith.constant 0 : i32
    %dma_wait3A_318 = tpu.memref_slice %arg7[%dma_wait3A_307, %dma_wait3A_317] : memref<2x4096xf32, #tpu.memory_space<vmem>> -> memref<1x4096xf32, #tpu.memory_space<vmem>>
    %dma_wait3A_319 = tpu.memref_squeeze %dma_wait3A_318 : memref<1x4096xf32, #tpu.memory_space<vmem>> -> memref<4096xf32, #tpu.memory_space<vmem>>
    tpu.wait_dma2 semaphore(%arg10 : memref<!tpu.dma_semaphore, #tpu.memory_space<semaphore_mem>>) src(%dma_wait3A_319 : memref<4096xf32, #tpu.memory_space<vmem>>) dst(%dma_wait3A_316 : memref<4096xf32, #tpu.memory_space<hbm>>)
    %dma_wait3A_320 = arith.constant 1 : i32
    %dma_wait3A_321 = arith.constant 0 : i32
    %dma_wait3A_322 = tpu.memref_slice %arg7[%dma_wait3A_320, %dma_wait3A_321] : memref<2x4096xf32, #tpu.memory_space<vmem>> -> memref<1x4096xf32, #tpu.memory_space<vmem>>
    %dma_wait3A_323 = tpu.memref_squeeze %dma_wait3A_322 : memref<1x4096xf32, #tpu.memory_space<vmem>> -> memref<4096xf32, #tpu.memory_space<vmem>>
    %dma_wait3A_324 = arith.constant 12288 : i32
    %dma_wait3A_325 = tpu.memref_slice %arg4[%add3A_190, %dma_wait3A_324] : memref<64x16384xf32, #tpu.memory_space<hbm>> -> memref<1x4096xf32, #tpu.memory_space<hbm>>
    %dma_wait3A_326 = tpu.memref_squeeze %dma_wait3A_325 : memref<1x4096xf32, #tpu.memory_space<hbm>> -> memref<4096xf32, #tpu.memory_space<hbm>>
    %dma_wait3A_327 = arith.constant 12288 : i32
    %dma_wait3A_328 = tpu.memref_slice %arg4[%add3A_190, %dma_wait3A_327] : memref<64x16384xf32, #tpu.memory_space<hbm>> -> memref<1x4096xf32, #tpu.memory_space<hbm>>
    %dma_wait3A_329 = tpu.memref_squeeze %dma_wait3A_328 : memref<1x4096xf32, #tpu.memory_space<hbm>> -> memref<4096xf32, #tpu.memory_space<hbm>>
    %dma_wait3A_330 = arith.constant 0 : i32
    %dma_wait3A_331 = tpu.memref_slice %arg7[%dma_wait3A_320, %dma_wait3A_330] : memref<2x4096xf32, #tpu.memory_space<vmem>> -> memref<1x4096xf32, #tpu.memory_space<vmem>>
    %dma_wait3A_332 = tpu.memref_squeeze %dma_wait3A_331 : memref<1x4096xf32, #tpu.memory_space<vmem>> -> memref<4096xf32, #tpu.memory_space<vmem>>
    tpu.wait_dma2 semaphore(%arg10 : memref<!tpu.dma_semaphore, #tpu.memory_space<semaphore_mem>>) src(%dma_wait3A_332 : memref<4096xf32, #tpu.memory_space<vmem>>) dst(%dma_wait3A_329 : memref<4096xf32, #tpu.memory_space<hbm>>)
    return
  }
}

</mosaic_0001>

<sc_bundles>
// kernel: _run.3.cloned.1.call-start
scs
__scs_entry_jumppad:
0x0: {  	(pc) =	sbr.rel $0x88, $3  }
0x1: {  	(tag) =	ssettag $0x0;
	lr =	simm.s32 $0x1  }
0x2: {  	[smem:$0x3F9F] =	sst lr;
	_ =	strace $0xD0000000  }
0x3: {  	_ = 	snop  }
0x4: {  	_ = 	snop  }
0x5: {  	_ = 	snop  }
0x6: {  	_ = 	snop  }
0x7: {  	_ = 	snop  }
__scs_overlays_trampoline_lowered:
0x8: {  	[smem:$0x3FAE] =	sst s0  }
0x9: {  	[smem:$0x3FAF] =	sst s1  }
0xa: {  	[smem:$0x3FB0] =	sst s2  }
0xb: {  	[smem:$0x3FB1] =	sst s3  }
0xc: {  	[smem:$0x3FB2] =	sst s4  }
0xd: {  	[smem:$0x3FB3] =	sst s5  }
0xe: {  	[smem:$0x3FB4] =	sst s6  }
0xf: {  	[smem:$0x3FB5] =	sst s7  }
0x10: {  	[smem:$0x3FB6] =	sst s8  }
0x11: {  	[smem:$0x3FB7] =	sst s9;
	s0 =	simm.s32 @!p0 $0x0  }
0x12: {  	s1 =	sld [smem:$0x3F9D];
	s0 =	simm.s32 @p0 $0x1  }
0x13: {  	[smem:$0x3FB8] =	sst s0;
	s0 =	simm.s32 @!p1 $0x0  }
0x14: {  	s2 =	sld [smem:$0x3F9C];
	s0 =	simm.s32 @p1 $0x1  }
0x15: {  	[smem:$0x3FB9] =	sst s0;
	s0 =	simm.s32 @!p2 $0x0  }
0x16: {  	s3 =	sld [smem:$0x3FDB];
	s0 =	simm.s32 @p2 $0x1  }
0x17: {  	s4 =	simm.s32 $0x1BF5;
	[smem:$0x3FBB] =	sst s0  }
0x18: {  	s0 =	sld [smem:$0x3F9E];
	_ =	swait.ge [sflag:s4], $0x0  }
0x19: {  	s7 =	sld [smem:$0x3F9F]  }
0x1a: {  	s8 =	sadd.s32 $0xFFFFE003, lr  }
0x1b: {  	s9 =	sadd.s32 $0xFFFFFEF7, lr;
	s5 =	simm.s32 $0xFFFFFFFF;
	p2 =	slt.u32 s8, $0xFFFFF086  }
0x1c: {  	p1 =	slt.u32 s9, $0xF7A;
	s5 =	simm.s32 @!p2 $0x0  }
0x1d: {  	s5 =	simm.s32 @p1 $0x1;
	p0 =	seq.s32 s7, s2  }
0x1e: {  	s7 =	smul.u32 @!p0 $0xF7A, s2;
	p2 =	seq.s32 @!p0 s5, $0x0  }
0x1f: {  	s9 =	smul.u32 $0xF7A, s1;
	s8 =	simm.s32 @!p0 $0x1BF5;
	p2 =	por !p2, p0  }
0x20: {  	[sflag:s8] =	ssyncset.s32 @!p0 $0xFFFFF086;
	s6 =	sadd.s32 @!p0 s3, s7;
	s7 =	simm.s32 @!p0 $0x108  }
0x21: {  	s3 =	sadd.s32 s3, s9;
	s6 =	sadd.s32 @!p0 $0x88, s6;
	s7 =	simm.s32 @p2 $0x1082  }
0x22: {  	[simem:s7], [sflag:s8] =	dma.local @!p0 [hbm:s6], $0xF7A  }
0x23: {  	s9 =	sor.u32 $0xD0000000, s2;
	s6 =	simm.s32 $0x108;
	_ =	swait.ge @!p0 [sflag:s8], $0x0  }
0x24: {  	s3 =	sadd.s32 $0x88, s3;
	s6 =	simm.s32 @!p1 $0x1082;
	[sflag:s4] =	ssyncset.s32 $0xFFFFF086  }
0x25: {  	[simem:s6], [sflag:s4] =	dma.local [hbm:s3], $0xF7A  }
0x26: {  	[smem:$0x3F9F] =	sst s1;
	(tag) =	ssettag s2;
	_ =	strace s9  }
0x27: {  	s1 =	sld [smem:$0x3FAF]  }
0x28: {  	s2 =	sld [smem:$0x3FB0]  }
0x29: {  	s4 =	sld [smem:$0x3FB2]  }
0x2a: {  	p0 =	seq.s32 s5, $0x0;
	s5 =	sld [smem:$0x3FB3]  }
0x2b: {  	s6 =	sld [smem:$0x3FB4]  }
0x2c: {  	s7 =	sld [smem:$0x3FB5]  }
0x2d: {  	s3 =	simm.s32 $0x108;
	s8 =	sld [smem:$0x3FB6]  }
0x2e: {  	s3 =	simm.s32 @!p0 $0x1082;
	s9 =	sld [smem:$0x3FB7]  }
0x2f: {  	lr =	sadd.s32 s0, s3;
	s0 =	sld [smem:$0x3FAE]  }
0x30: {  	s3 =	sld [smem:$0x3FB1]  }
0x31: {  	[smem:$0x3FBA] =	sst s10  }
0x32: {  	s10 =	sld [smem:$0x3FB8];
	_ =	sdelay $0x3  }
0x33: {  	p0 =	seq.s32 s10, $0x1;
	s10 =	sld [smem:$0x3FBA];
	_ =	sdelay $0x3  }
0x34: {  	[smem:$0x3FBA] =	sst s10  }
0x35: {  	s10 =	sld [smem:$0x3FB9];
	_ =	sdelay $0x3  }
0x36: {  	p1 =	seq.s32 s10, $0x1;
	s10 =	sld [smem:$0x3FBA];
	_ =	sdelay $0x3  }
0x37: {  	[smem:$0x3FBA] =	sst s10  }
0x38: {  	s10 =	sld [smem:$0x3FBB]  }
0x39: {  	_ = 	snop;
	(pc) =	sbr.ind lr, $3  }
0x3a: {  	_ = 	snop  }
0x3b: {  	_ = 	snop  }
0x3c: {  	p2 =	seq.s32 s10, $0x1;
	s10 =	sld [smem:$0x3FBA]  }
0x3d: {  	_ =	shalt  }
0x3e: {  	_ =	shalt  }
0x3f: {  	_ =	shalt  }
0x40: {  	_ =	shalt  }
0x41: {  	_ =	shalt  }
0x42: {  	_ =	shalt  }
0x43: {  	_ =	shalt  }
0x44: {  	_ =	shalt  }
0x45: {  	_ =	shalt  }
0x46: {  	_ =	shalt  }
0x47: {  	_ =	shalt  }
0x48: {  	_ =	shalt  }
0x49: {  	_ =	shalt  }
0x4a: {  	_ =	shalt  }
0x4b: {  	_ =	shalt  }
0x4c: {  	_ =	shalt  }
0x4d: {  	_ =	shalt  }
0x4e: {  	_ =	shalt  }
0x4f: {  	_ =	shalt  }
0x50: {  	_ =	shalt  }
0x51: {  	_ =	shalt  }
0x52: {  	_ =	shalt  }
0x53: {  	_ =	shalt  }
0x54: {  	_ =	shalt  }
0x55: {  	_ =	shalt  }
0x56: {  	_ =	shalt  }
0x57: {  	_ =	shalt  }
0x58: {  	_ =	shalt  }
0x59: {  	_ =	shalt  }
0x5a: {  	_ =	shalt  }
0x5b: {  	_ =	shalt  }
0x5c: {  	_ =	shalt  }
0x5d: {  	_ =	shalt  }
0x5e: {  	_ =	shalt  }
0x5f: {  	_ =	shalt  }
0x60: {  	_ =	shalt  }
0x61: {  	_ =	shalt  }
0x62: {  	_ =	shalt  }
0x63: {  	_ =	shalt  }
0x64: {  	_ =	shalt  }
0x65: {  	_ =	shalt  }
0x66: {  	_ =	shalt  }
0x67: {  	_ =	shalt  }
0x68: {  	_ =	shalt  }
0x69: {  	_ =	shalt  }
0x6a: {  	_ =	shalt  }
0x6b: {  	_ =	shalt  }
0x6c: {  	_ =	shalt  }
0x6d: {  	_ =	shalt  }
0x6e: {  	_ =	shalt  }
0x6f: {  	_ =	shalt  }
0x70: {  	_ =	shalt  }
0x71: {  	_ =	shalt  }
0x72: {  	_ =	shalt  }
0x73: {  	_ =	shalt  }
0x74: {  	_ =	shalt  }
0x75: {  	_ =	shalt  }
0x76: {  	_ =	shalt  }
0x77: {  	_ =	shalt  }
0x78: {  	_ =	shalt  }
0x79: {  	_ =	shalt  }
0x7a: {  	_ =	shalt  }
0x7b: {  	_ =	shalt  }
0x7c: {  	_ =	shalt  }
0x7d: {  	_ =	shalt  }
0x7e: {  	_ =	shalt  }
0x7f: {  	_ =	shalt  }
0x80: {  	_ =	shalt  }
0x81: {  	_ =	shalt  }
0x82: {  	_ =	shalt  }
0x83: {  	_ =	shalt  }
0x84: {  	_ =	shalt  }
0x85: {  	_ =	shalt  }
0x86: {  	_ =	shalt  }
0x87: {  	_ =	shalt  }
.Lfunc_end0:
.L_simem_size_0:
called_computation_lowered:
.L_overlay_start_0:
0x88: {  	s2 =	sld [smem:$0x3FD9]  }
0x89: {  	s3 =	sld [smem:$0x3FFE];
	_ =	sdelay $0x1  }
0x8a: {  	s1 =	srdreg.scid  }
0x8b: {  	s0 =	sand.u32 $0x1, s1  }
0x8c: {  	s18 =	sshll.u32 s0, $0xA;
	s2 =	sadd.s32 s3, s2  }
0x8d: {  	s2 =	sadd.s32 s2, s18  }
0x8e: {  	[smem:$0x3FC6] =	sst s2  }
0x8f: {  	_ = 	snop  }
0x90: {  	s2 =	sld [smem:$0x3FC9]  }
0x91: {  	s19 =	sld [smem:$0x3FC8]  }
0x92: {  	s4 =	sld [smem:$0x3FD0];
	(tm) =	ssettm $0x1  }
0x93: {  	s5 =	sld [smem:$0x3FFB];
	_ =	sdelay $0x3  }
0x94: {  	_ =	strace s5  }
0x95: {  	s5 =	sld [smem:$0x3FFC];
	_ =	sdelay $0x3  }
0x96: {  	_ =	strace s5  }
0x97: {  	s5 =	sld [smem:$0x3FFD];
	_ =	sdelay $0x3  }
0x98: {  	_ =	strace s5  }
0x99: {  	_ =	strace $0x8FFFFFFF  }
0x9a: {  	s20 =	sld [smem:$0x3FDB];
	_ =	sdelay $0x1  }
0x9b: {  	s6 =	simm.s32 $_scs_section_size  }
0x9c: {  	s7 =	simm.s32 $_size__tile_overlayer_lowered;
	s8 =	simm.s32 $_tile_overlayer_lowered  }
0x9d: {  	s23 =	simm.s32 $0x1BFF;
	s22 =	sshll.u32 s8, $0x1;
	s5 =	sadd.s32 s6, s20  }
0x9e: {  	s9 =	simm.s32 $0x0;
	s21 =	sshll.u32 s7, $0x1;
	s7 =	sadd.s32 s22, s5  }
0x9f: {  	[timem:s9], [sflag:s23] =	dma.local [hbm:s7], s21  }
0xa0: {  	_ =	swait.ge [sflag:s23], s21  }
0xa1: {  	s6 =	ssub.s32 $0x0, s21;
	[sflag:s23] =	ssyncset.done $0x0  }
0xa2: {  	[sflag:s23] =	ssyncadd.s32 s6;
	_ =	sdelay $0x1  }
0xa3: {  	s24 =	simm.s32 $0x1B8B  }
0xa4: {  	_ =	swait.ge [sflag:s24], $0x1  }
0xa5: {  	[sflag:s24] =	ssyncset.done $0x0  }
0xa6: {  	s25 =	simm.s32 $0x1B8E;
	[sflag:s24] =	ssyncadd.s32 $0xFFFFFFFF  }
0xa7: {  	s26 =	simm.s32 $execute0_lowered;
	[smem:$0x3FD2] =	sst s25  }
0xa8: {  	s6 =	sshll.u32 s26, $0x1;
	_ =	strace $0x80000046;
	[dreg:$0x1] =	wrdreg $0xFFFFFFFF  }
0xa9: {  	s28 =	simm.s32 $_size_execute0_lowered;
	s5 =	sadd.s32 s5, s6;
	[dreg:$0x0] =	wrdreg $0x0  }
0xaa: {  	s6 =	sshll.u32 s28, $0x1;
	[dreg:$0x2] =	wrdreg s5  }
0xab: {  	[dreg:$0x3] =	wrdreg s6  }
0xac: {  	[dreg:$0x4] =	wrdreg $0xC0  }
0xad: {  	_ =	task [dreg:s9], $0x5FFFF  }
0xae: {  	[dreg:$0x1] =	wrdreg $0xFFFFFFFF  }
0xaf: {  	[dreg:$0x0] =	wrdreg $0x60  }
0xb0: {  	[dreg:$0x2] =	wrdreg s2  }
0xb1: {  	[dreg:$0x3] =	wrdreg s19  }
0xb2: {  	[dreg:$0x4] =	wrdreg s4  }
0xb3: {  	[dreg:$0x5] =	wrdreg $0x1E7000  }
0xb4: {  	[dreg:$0x6] =	wrdreg $0x9  }
0xb5: {  	_ =	task.clear_ibuf [dreg:s9], $0x7FFFF;
	_ =	strace $0x90000046  }
0xb6: {  	s29 =	simm.s32 $0x9;
	_ =	strace $0x80000048  }
0xb7: {  	_ =	swait.ge [sflag:s29], $0x1  }
0xb8: {  	[sflag:s29] =	ssyncadd.s32 $0xFFFFFFFF  }
0xb9: {  	_ =	strace $0x90000048  }
0xba: {  	_ =	sfence  }
0xbb: {  	s30 =	sld [smem:$0x0];
	_ =	sdelay $0x2  }
0xbc: {  	s31 =	sshll.u32 s1, $0xD;
	s1 =	sshrl.u32 s1, $0x2  }
0xbd: {  	s3 =	sand.u32 $0x4000, s31;
	s1 =	sadd.s32 s1, s30  }
0xbe: {  	s0 =	sor.u32 s3, s0;
	s1 =	sshll.u32 s1, $0x11  }
0xbf: {  	s0 =	sor.u32 s1, s0  }
0xc0: {  	s0 =	sadd.s32 $0x8F2B, s0  }
0xc1: {  	[sflag:s0] =	ssyncadd.remote.s32 $0x1  }
0xc2: {  	_ =	sfence.sel $0xFFFF  }
0xc3: {  	[dreg:$0x0] =	wrdreg $0xFFFFFFFF;
	(pc) =	sbr.abs _section_cstart, $3  }
0xc4: {  	[dreg:$0x1] =	wrdreg $0xFFFFFFFF  }
0xc5: {  	_ =	task.clear_ibuf [dreg:s9], $0x2FFFF;
	_ =	strace $0x9FFFFFFF  }
0xc6: {  	(tm) =	ssettm $0x7FFFFFFF  }
0xc7: {  	_ =	shalt  }
tec
execute0_lowered:
.L_overlay_start_1:
0x0: {  	(tag) =	ssettag $0x1  }
0x1: {  	s1 =	rddreg [dreg:$0x0]  }
0x2: {  	s9 =	rddreg [dreg:$0x1]  }
0x3: {  	s13 =	rddreg [dreg:$0x2]  }
0x4: {  	s2 =	rddreg [dreg:$0x3]  }
0x5: {  	s15 =	stileid.u32;
	s0 =	rddreg [dreg:$0x4]  }
0x6: {  	s4 =	srdreg.scid;
	s19 =	simm.s32 $0xC2B2AE3D;
	s20 =	simm.s32 $0x3C6EF35F  }
0x7: {  	s21 =	simm.s32 $0x0;
	s3 =	sshll.u32 s15, $0x1;
	s5 =	sshrl.u32 s15, $0x2  }
0x8: {  	s4 =	sand.u32 $0x1, s4;
	s17 =	sadd.s32 $0x1000, s13;
	s18 =	sadd.s32 $0x2000, s13  }
0x9: {  	s6 =	sand.u32 $0x6, s3;
	s7 =	smul.u32 $0x187000, s5;
	s3 =	simm.s32 $0x0  }
0xa: {  	p0 =	seq.s32 s5, $0x2;
	p1 =	seq.s32 s5, $0x1;
	s25 =	sshll.u32 s5, $0x12  }
0xb: {  	p2 =	seq.s32 s5, $0x0;
	s8 =	sshrl.u32 s6, $0x2;
	s6 =	sor.u32 s4, s6  }
0xc: {  	[smem:$0x7FF] =	sst s3;
	s4 =	ssub.s32 $0x2, s4;
	s19 =	simm.s32 @!p0 $0x27D4EB2F  }
0xd: {  	s20 =	simm.s32 @!p0 $0xA54FF53A;
	p0 =	sne.s32 s15, $0x0;
	s15 =	simm.s32 $0x80  }
0xe: {  	s8 =	smul.u32 $0xC3800, s8;
	s10 =	sshll.u32 s6, $0x8;
	_ =	strace $0x80000047  }
0xf: {  	s23 =	sshrl.u32 s4, $0x1;
	s6 =	sshll.u32 s6, $0xF;
	s19 =	simm.s32 @p1 $0x85EBCA77  }
0x10: {  	s20 =	simm.s32 @p1 $0xBB67AE85;
	s10 =	sand.u32 $0x300, s10;
	s14 =	ssub.s32 s4, s23  }
0x11: {  	s12 =	sor.u32 s25, s6;
	s19 =	simm.s32 @p2 $0x9E3779B1;
	s20 =	simm.s32 @p2 $0x165667B1  }
0x12: {  	s11 =	sadd.s32 s7, s8;
	s16 =	sand.u32 $0xE0000, s12;
	s6 =	sor.u32 s10, s12  }
0x13: {  	s14 =	smax.u32 s14, $0x1;
	v0 =	vmov s19;
	v1 =	vmov s20;
	s19 =	simm.s32 $0x1;
	s20 =	simm.s32 $0x2  }
0x14: {  	s8 =	sor.u32 s10, s11;
	s26 =	sor.u32 s10, s16;
	s29 =	sshrl.u32 s6, $0x3  }
0x15: {  	s10 =	sor.u32 $0x80, s10;
	s24 =	sshrl.u32 s8, $0x3;
	s28 =	sshrl.u32 s26, $0x3  }
0x16: {  	s8 =	sor.u32 $0x3000, s29;
	s11 =	sor.u32 s11, s10;
	s16 =	sor.u32 s10, s16  }
0x17: {  	s10 =	sor.u32 s12, s10;
	s4 =	sadd.s32 s9, s24;
	s5 =	sadd.s32 s13, s28  }
0x18: {  	s6 =	sadd.s32 s28, s17;
	s7 =	sadd.s32 s28, s18;
	s8 =	sadd.s32 s13, s8  }
0x19: {  	s11 =	sshrl.u32 s11, $0x3;
	s30 =	sshrl.u32 s16, $0x3;
	s31 =	sshrl.u32 s10, $0x3  }
0x1a: {  	s9 =	sadd.s32 s9, s11;
	s10 =	sadd.s32 s13, s30;
	s16 =	sor.u32 $0x3000, s31  }
0x1b: {  	s11 =	sadd.s32 s30, s17;
	s12 =	sadd.s32 s30, s18;
	s17 =	simm.s32 $0x18700  }
0x1c: {  	s18 =	simm.s32 $0x3;
	s13 =	sadd.s32 s13, s16;
	s16 =	simm.s32 $0x400  }
.LBB2_1:
0x1d: {  	[tilespmem:s3], [sflag:$0x1] =	stream.strided.gather [hbm4b:s4+s15], $0x18700, s16, s15, $0x38;
	[tilespmem:$0x1EB00] =	vst v63  }
0x1e: {  	s22 =	sshrl.u32 @!p0 s2, $0x3;
	s23 =	simm.s32 @!p0 $0x1C03  }
0x1f: {  	[spmem:s22], [sflag:s23] =	dma.local @!p0 [hbm:s1], $0x800  }
0x20: {  	s22 =	simm.s32 @!p0 $0x3  }
0x21: {  	_ =	swait.ge @!p0 [sflag:s22], $0x800  }
0x22: {  	[sflag:s22] =	ssyncset.done @!p0 $0x0  }
0x23: {  	[sflag:s22] =	ssyncadd.s32 @!p0 $0xFFFFF800  }
0x24: {  	[bflag:$0x0] =	sbarrier.arrive $0xFFFF  }
0x25: {  	[tilespmem:s17], [sflag:$0x3] =	stream.linear.gather [spmem:s2], $0x4000, $0x38;
	[tilespmem:$0x1EB00] =	vst v63  }
0x26: {  	_ =	swait.ge [sflag:s18], $0x4000  }
0x27: {  	[sflag:s18] =	ssyncset.done $0x0  }
0x28: {  	s22 =	simm.s32 $0x18740;
	[sflag:s18] =	ssyncadd.s32 $0xFFFFC000  }
0x29: {  	v2 =	vld [tilespmem:s22+$0x30]  }
0x2a: {  	v3 =	vld [tilespmem:s22+$0xFFFFFFD0]  }
0x2b: {  	v4 =	vld [tilespmem:s22+$0xFFFFFFE0]  }
0x2c: {  	v5 =	vld [tilespmem:s22+$0xFFFFFFF0]  }
0x2d: {  	v6 =	vld [tilespmem:s22+$0x0]  }
0x2e: {  	v7 =	vld [tilespmem:s22+$0x10]  }
0x2f: {  	v8 =	vld [tilespmem:s22+$0xFFFFFFC0]  }
0x30: {  	v9 =	vld [tilespmem:s22+$0x20];
	_ =	sdelay $0x1  }
0x31: {  	v2 =	vmul.u32 v0, v2;
	v3 =	vmul.u32 v0, v3  }
0x32: {  	v4 =	vmul.u32 v0, v4;
	v5 =	vmul.u32 v0, v5;
	v6 =	vmul.u32 v0, v6  }
0x33: {  	v7 =	vmul.u32 v0, v7;
	v8 =	vmul.u32 v0, v8;
	v2 =	vadd.s32 v1, v2  }
0x34: {  	v4 =	vadd.s32 v1, v4;
	v13 =	vadd.s32 v1, v5;
	v5 =	vmul.u32 v0, v9  }
0x35: {  	v16 =	vadd.s32 v1, v7;
	v7 =	vadd.s32 v1, v8;
	v10 =	vshrl.u32 v2, $0x5  }
0x36: {  	v14 =	vadd.s32 v1, v6;
	v9 =	vshrl.u32 v7, $0x5;
	v10 =	vmulhi.u32 $0xA7C5AC5, v10  }
0x37: {  	v8 =	vshrl.u32 v4, $0x5;
	v17 =	vadd.s32 v1, v5;
	v5 =	vmulhi.u32 $0xA7C5AC5, v9  }
0x38: {  	v3 =	vadd.s32 v1, v3;
	v9 =	vshrl.u32 v14, $0x5;
	v8 =	vmulhi.u32 $0xA7C5AC5, v8  }
0x39: {  	v11 =	vshrl.u32 v3, $0x5;
	v9 =	vmulhi.u32 $0xA7C5AC5, v9  }
0x3a: {  	v6 =	vshrl.u32 v10, $0x7;
	v10 =	vshrl.u32 v13, $0x5;
	v5 =	vshrl.u32 v5, $0x7  }
0x3b: {  	s23 =	simm.s32 $0x187C0;
	v8 =	vshrl.u32 v8, $0x7;
	v6 =	vmul.u32 $0x186A0, v6;
	v10 =	vmulhi.u32 $0xA7C5AC5, v10  }
0x3c: {  	v15 =	vld [tilespmem:s23+$0x30];
	v5 =	vmul.u32 $0x186A0, v5;
	v8 =	vmul.u32 $0x186A0, v8;
	v9 =	vshrl.u32 v9, $0x7  }
0x3d: {  	v18 =	vld [tilespmem:s23+$0xFFFFFFD0];
	v22 =	vmul.u32 $0x186A0, v9;
	v12 =	vsub.s32 v2, v6;
	v2 =	vmulhi.u32 $0xA7C5AC5, v11  }
0x3e: {  	v9 =	vld [tilespmem:s23+$0x10];
	v6 =	vshrl.u32 v16, $0x5;
	v11 =	vshrl.u32 v17, $0x5;
	v10 =	vshrl.u32 v10, $0x7  }
0x3f: {  	v19 =	vld [tilespmem:s23+$0xFFFFFFE0];
	v7 =	vsub.s32 v7, v5;
	v26 =	vsub.s32 v4, v8;
	v6 =	vmulhi.u32 $0xA7C5AC5, v6  }
0x40: {  	v20 =	vld [tilespmem:s23+$0xFFFFFFF0];
	v21 =	vmul.u32 $0x186A0, v10;
	v10 =	vmulhi.u32 $0xA7C5AC5, v11;
	v2 =	vshrl.u32 v2, $0x7  }
0x41: {  	v11 =	vld [tilespmem:s23+$0x0];
	v2 =	vmul.u32 $0x186A0, v2;
	v5 =	vshrl.u32 v6, $0x7;
	v6 =	vmul.u32 v0, v15  }
0x42: {  	v25 =	vld [tilespmem:s23+$0xFFFFFFC0];
	v13 =	vsub.s32 v13, v21;
	v23 =	vmul.u32 $0x186A0, v5;
	v5 =	vshrl.u32 v10, $0x7  }
0x43: {  	v15 =	vld [tilespmem:s23+$0x20];
	v10 =	vmul.u32 v0, v18;
	v8 =	vmul.u32 v0, v9;
	v18 =	vsub.s32 v3, v2  }
0x44: {  	v24 =	vmul.u32 $0x186A0, v5;
	v2 =	vmul.u32 v0, v19;
	v19 =	vadd.s32 v1, v6  }
0x45: {  	v3 =	vmul.u32 v0, v20;
	v6 =	vadd.s32 v1, v10;
	v4 =	vshrl.u32 v19, $0x5  }
0x46: {  	v5 =	vadd.s32 v1, v2;
	v2 =	vmul.u32 v0, v11;
	v4 =	vmulhi.u32 $0xA7C5AC5, v4  }
0x47: {  	v62 =	vshrl.u32 v6, $0x5;
	v3 =	vadd.s32 v1, v3;
	v11 =	vmul.u32 v0, v25  }
0x48: {  	[tilespmem:s22+$0xFFFFFFF0] =	vst v13;
	v13 =	vsub.s32 v17, v24;
	v9 =	vmul.u32 v0, v15;
	v63 =	vshrl.u32 v5, $0x5  }
0x49: {  	[tilespmem:s22+$0x30] =	vst v12;
	v12 =	vshrl.u32 v3, $0x5;
	v2 =	vadd.s32 v1, v2;
	v10 =	vshrl.u32 v4, $0x7  }
0x4a: {  	[tilespmem:s22+$0xFFFFFFC0] =	vst v7;
	v4 =	vadd.s32 v1, v8;
	v8 =	vadd.s32 v1, v11;
	v10 =	vmul.u32 $0x186A0, v10  }
0x4b: {  	[tilespmem:s22+$0xFFFFFFD0] =	vst v18;
	v7 =	vadd.s32 v1, v9;
	v11 =	vshrl.u32 v2, $0x5;
	v18 =	vshrl.u32 v8, $0x5  }
0x4c: {  	[tilespmem:s22+$0xFFFFFFE0] =	vst v26;
	v9 =	vshrl.u32 v7, $0x5;
	v18 =	vmulhi.u32 $0xA7C5AC5, v18;
	v15 =	vsub.s32 v19, v10  }
0x4d: {  	v10 =	vshrl.u32 v4, $0x5;
	v19 =	vsub.s32 v14, v22;
	[tilespmem:s23+$0x30] =	vst v15;
	v15 =	vmulhi.u32 $0xA7C5AC5, v62  }
0x4e: {  	s24 =	simm.s32 $0x8;
	s25 =	simm.s32 $0x18840;
	v14 =	vsub.s32 v16, v23;
	v16 =	vmulhi.u32 $0xA7C5AC5, v63;
	v17 =	vshrl.u32 v18, $0x7;
	[tilespmem:s22+$0x0] =	vst v19  }
.LBB2_2:
0x4f: {  	v18 =	vld [tilespmem:s25+$0x30];
	s24 =	sadd.s32 $0x8, s24;
	v17 =	vmul.u32 $0x186A0, v17;
	v15 =	vshrl.u32 v15, $0x7;
	v12 =	vmulhi.u32 $0xA7C5AC5, v12;
	[tilespmem:s22+$0x10] =	vst v14  }
0x50: {  	v11 =	vmulhi.u32 $0xA7C5AC5, v11;
	v14 =	vld [tilespmem:s25+$0xFFFFFFD0];
	p1 =	slt.u32 s24, $0x3F8;
	v15 =	vmul.u32 $0x186A0, v15;
	v16 =	vshrl.u32 v16, $0x7;
	[tilespmem:s22+$0x20] =	vst v13;
	s22 =	smov.u32 s23;
	s23 =	smov.u32 s25  }
0x51: {  	v10 =	vmulhi.u32 $0xA7C5AC5, v10;
	v13 =	vld [tilespmem:s25+$0xFFFFFFE0];
	v16 =	vmul.u32 $0x186A0, v16;
	v12 =	vshrl.u32 v12, $0x7  }
0x52: {  	v9 =	vmulhi.u32 $0xA7C5AC5, v9;
	v11 =	vshrl.u32 v11, $0x7;
	v19 =	vld [tilespmem:s25+$0xFFFFFFF0];
	v20 =	vmul.u32 $0x186A0, v12  }
0x53: {  	v8 =	vsub.s32 v8, v17;
	v10 =	vshrl.u32 v10, $0x7;
	v17 =	vmul.u32 $0x186A0, v11;
	v12 =	vld [tilespmem:s25+$0x0]  }
0x54: {  	v21 =	vmul.u32 $0x186A0, v10;
	v11 =	vld [tilespmem:s25+$0x10];
	v18 =	vmul.u32 v0, v18;
	[tilespmem:s22+$0xFFFFFFC0] =	vst v8;
	v8 =	vshrl.u32 v9, $0x7  }
0x55: {  	v6 =	vsub.s32 v6, v15;
	v9 =	vmul.u32 v0, v14;
	v10 =	vld [tilespmem:s25+$0x20];
	v22 =	vmul.u32 $0x186A0, v8  }
0x56: {  	v5 =	vsub.s32 v5, v16;
	v8 =	vld [tilespmem:s25+$0xFFFFFFC0];
	v13 =	vmul.u32 v0, v13;
	v14 =	vadd.s32 v1, v18;
	[tilespmem:s22+$0xFFFFFFD0] =	vst v6  }
0x57: {  	v6 =	vadd.s32 v1, v9;
	v9 =	vmul.u32 v0, v19;
	v15 =	vshrl.u32 v14, $0x5;
	[tilespmem:s22+$0xFFFFFFE0] =	vst v5  }
0x58: {  	v5 =	vadd.s32 v1, v13;
	v12 =	vmul.u32 v0, v12;
	v13 =	vmulhi.u32 $0xA7C5AC5, v15  }
0x59: {  	v15 =	vshrl.u32 v6, $0x5;
	v16 =	vadd.s32 v1, v9;
	v9 =	vmul.u32 v0, v11  }
0x5a: {  	v18 =	vadd.s32 v1, v12;
	v10 =	vmul.u32 v0, v10;
	v11 =	vshrl.u32 v13, $0x7  }
0x5b: {  	v8 =	vmul.u32 v0, v8;
	v19 =	vadd.s32 v1, v9;
	v9 =	vmul.u32 $0x186A0, v11  }
0x5c: {  	v23 =	vshrl.u32 v5, $0x5;
	v12 =	vshrl.u32 v16, $0x5;
	v24 =	vadd.s32 v1, v10  }
.Ltmp0:
0x5d: {  	v11 =	vshrl.u32 v18, $0x5;
	v8 =	vadd.s32 v1, v8;
	v13 =	vsub.s32 v14, v9;
	(pc) =	sbr.rel @p1 .LBB2_2-.Ltmp0, $4  }
0x5e: {  	v10 =	vshrl.u32 v19, $0x5;
	v9 =	vshrl.u32 v24, $0x5;
	v14 =	vshrl.u32 v8, $0x5;
	[tilespmem:s25+$0x30] =	vst v13  }
0x5f: {  	v13 =	vsub.s32 v3, v20;
	v20 =	vsub.s32 v2, v17;
	v3 =	vmovc v16;
	v2 =	vmovc v18;
	v25 =	vmulhi.u32 $0xA7C5AC5, v14  }
0x60: {  	v15 =	vmulhi.u32 $0xA7C5AC5, v15;
	v14 =	vsub.s32 v4, v21;
	v4 =	vmovc v19;
	[tilespmem:s22+$0xFFFFFFF0] =	vst v13;
	v13 =	vsub.s32 v7, v22  }
0x61: {  	v16 =	vmulhi.u32 $0xA7C5AC5, v23;
	s25 =	sadd.s32 $0x80, s25;
	v7 =	vmov v24;
	v17 =	vshrl.u32 v25, $0x7;
	[tilespmem:s22+$0x0] =	vst v20  }
0x62: {  	v12 =	vmulhi.u32 $0xA7C5AC5, v12  }
0x63: {  	v11 =	vmulhi.u32 $0xA7C5AC5, v11  }
0x64: {  	v15 =	vshrl.u32 v15, $0x7;
	v17 =	vmul.u32 $0x186A0, v17;
	v10 =	vmulhi.u32 $0xA7C5AC5, v10  }
0x65: {  	[tilespmem:s22+$0x10] =	vst v14;
	v9 =	vmulhi.u32 $0xA7C5AC5, v9;
	v15 =	vmul.u32 $0x186A0, v15;
	v16 =	vshrl.u32 v16, $0x7  }
0x66: {  	[tilespmem:s22+$0x20] =	vst v13;
	v59 =	vmul.u32 $0x186A0, v16;
	v12 =	vshrl.u32 v12, $0x7;
	v8 =	vsub.s32 v8, v17  }
0x67: {  	v11 =	vshrl.u32 v11, $0x7;
	v12 =	vmul.u32 $0x186A0, v12;
	[tilespmem:s23+$0xFFFFFFC0] =	vst v8;
	v6 =	vsub.s32 v6, v15  }
0x68: {  	v10 =	vshrl.u32 v10, $0x7;
	v8 =	vmul.u32 $0x186A0, v11;
	[tilespmem:s23+$0xFFFFFFD0] =	vst v6;
	v5 =	vsub.s32 v5, v59  }
0x69: {  	v9 =	vshrl.u32 v9, $0x7;
	v6 =	vmul.u32 $0x186A0, v10;
	[tilespmem:s23+$0xFFFFFFE0] =	vst v5;
	v3 =	vsub.s32 v3, v12  }
0x6a: {  	v5 =	vmul.u32 $0x186A0, v9;
	v2 =	vsub.s32 v2, v8;
	[tilespmem:s23+$0xFFFFFFF0] =	vst v3  }
0x6b: {  	v3 =	vsub.s32 v4, v6;
	[tilespmem:s23+$0x0] =	vst v2  }
0x6c: {  	v2 =	vsub.s32 v7, v5;
	[tilespmem:s23+$0x10] =	vst v3  }
0x6d: {  	[tilespmem:s23+$0x20] =	vst v2  }
0x6e: {  	_ =	swait.ge [sflag:s19], $0x18700  }
0x6f: {  	[sflag:s19] =	ssyncset.done $0x0  }
0x70: {  	s31 =	simm.s32 $0x18740;
	[sflag:s19] =	ssyncadd.s32 $0xFFFE7900  }
0x71: {  	v2 =	vld [tilespmem:s31+$0x30]  }
0x72: {  	v3 =	vld [tilespmem:s31+$0xFFFFFFD0]  }
0x73: {  	v4 =	vld [tilespmem:s31+$0xFFFFFFE0]  }
0x74: {  	v5 =	vld [tilespmem:s31+$0xFFFFFFF0]  }
0x75: {  	v6 =	vld [tilespmem:s31+$0x0]  }
0x76: {  	v8 =	vld [tilespmem:s31+$0x10]  }
0x77: {  	v60 =	vld [tilespmem:s31+$0x20]  }
0x78: {  	v61 =	vld [tilespmem:s31+$0xFFFFFFC0]  }
0x79: {  	v62 =	vld.idx.msk [tilespmem:v2+s3+$0x0], $0xffff  }
0x7a: {  	v63 =	vld.idx.msk [tilespmem:v3+s3+$0x0], $0xffff  }
0x7b: {  	v7 =	vld.idx.msk [tilespmem:v4+s3+$0x0], $0xffff  }
0x7c: {  	v5 =	vld.idx.msk [tilespmem:v5+s3+$0x0], $0xffff  }
0x7d: {  	v2 =	vld.idx.msk [tilespmem:v6+s3+$0x0], $0xffff  }
0x7e: {  	s22 =	simm.s32 $0x1C740;
	v3 =	vld.idx.msk [tilespmem:v8+s3+$0x0], $0xffff  }
0x7f: {  	v4 =	vld.idx.msk [tilespmem:v60+s3+$0x0], $0xffff;
	[tilespmem:s22+$0x30] =	vst v62  }
0x80: {  	s24 =	simm.s32 $0x187C0;
	s23 =	simm.s32 $0x0;
	v6 =	vld.idx.msk [tilespmem:v61+s3+$0x0], $0xffff;
	[tilespmem:s22+$0xFFFFFFD0] =	vst v63  }
.LBB2_4:
0x81: {  	v8 =	vld [tilespmem:s24+$0x30];
	s23 =	sadd.s32 $0x8, s23;
	[tilespmem:s22+$0xFFFFFFE0] =	vst v7  }
0x82: {  	v7 =	vld [tilespmem:s24+$0xFFFFFFD0];
	p1 =	slt.u32 s23, $0xF8;
	[tilespmem:s22+$0xFFFFFFF0] =	vst v5  }
0x83: {  	v5 =	vld [tilespmem:s24+$0xFFFFFFE0];
	[tilespmem:s22+$0x0] =	vst v2  }
0x84: {  	v2 =	vld [tilespmem:s24+$0xFFFFFFF0];
	[tilespmem:s22+$0x10] =	vst v3  }
0x85: {  	v3 =	vld [tilespmem:s24+$0x0];
	[tilespmem:s22+$0x20] =	vst v4  }
0x86: {  	v4 =	vld [tilespmem:s24+$0x10];
	[tilespmem:s22+$0xFFFFFFC0] =	vst v6  }
0x87: {  	v6 =	vld [tilespmem:s24+$0x20]  }
0x88: {  	v9 =	vld [tilespmem:s24+$0xFFFFFFC0]  }
0x89: {  	v8 =	vld.idx.msk [tilespmem:v8+s3+$0x0], $0xffff  }
0x8a: {  	v10 =	vld.idx.msk [tilespmem:v7+s3+$0x0], $0xffff  }
0x8b: {  	v7 =	vld.idx.msk [tilespmem:v5+s3+$0x0], $0xffff  }
.Ltmp1:
0x8c: {  	v5 =	vld.idx.msk [tilespmem:v2+s3+$0x0], $0xffff;
	(pc) =	sbr.rel @p1 .LBB2_4-.Ltmp1, $4  }
0x8d: {  	v2 =	vld.idx.msk [tilespmem:v3+s3+$0x0], $0xffff  }
0x8e: {  	s22 =	sadd.s32 $0x100, s22;
	v3 =	vld.idx.msk [tilespmem:v4+s3+$0x0], $0xffff  }
0x8f: {  	v4 =	vld.idx.msk [tilespmem:v6+s3+$0x0], $0xffff;
	[tilespmem:s22+$0x30] =	vst v8  }
0x90: {  	s24 =	sadd.s32 $0x80, s24;
	v6 =	vld.idx.msk [tilespmem:v9+s3+$0x0], $0xffff;
	[tilespmem:s22+$0xFFFFFFD0] =	vst v10  }
0x91: {  	[tilespmem:s22+$0xFFFFFFE0] =	vst v7  }
0x92: {  	[tilespmem:s22+$0xFFFFFFF0] =	vst v5  }
0x93: {  	[tilespmem:s22+$0x0] =	vst v2  }
0x94: {  	[tilespmem:s22+$0x10] =	vst v3  }
0x95: {  	[tilespmem:s22+$0x20] =	vst v4  }
0x96: {  	s23 =	simm.s32 $0x1C700;
	[tilespmem:s22+$0xFFFFFFC0] =	vst v6;
	s22 =	simm.s32 $0x0  }
.LBB2_6:
0x97: {  	p1 =	sne.s32 s22, $0xF80  }
.Ltmp2:
0x98: {  	_ = 	snop;
	(pc) =	sbr.rel @p1 .LBB2_6-.Ltmp2, $4  }
0x99: {  	_ = 	snop  }
0x9a: {  	s24 =	sadd.s32 s22, s5  }
0x9b: {  	[hbm4b:s24+s3] =	stream.linear.scatter [tilespmem:s23], [sflag:$0x2], $0x80, $0x38;
	[tilespmem:$0x1EB00] =	vst v63  }
0x9c: {  	s22 =	sadd.s32 $0x80, s22;
	s23 =	sadd.s32 $0x100, s23  }
0x9d: {  	s22 =	simm.s32 $0x19770  }
0x9e: {  	v2 =	vld [tilespmem:s22+$0x0]  }
0x9f: {  	v3 =	vld [tilespmem:s22+$0xFFFFFFA0]  }
0xa0: {  	v4 =	vld [tilespmem:s22+$0xFFFFFFB0]  }
0xa1: {  	v5 =	vld [tilespmem:s22+$0xFFFFFFC0]  }
0xa2: {  	v6 =	vld [tilespmem:s22+$0xFFFFFFD0]  }
0xa3: {  	v8 =	vld [tilespmem:s22+$0xFFFFFFE0]  }
0xa4: {  	v9 =	vld [tilespmem:s22+$0xFFFFFFF0]  }
0xa5: {  	v10 =	vld [tilespmem:s22+$0xFFFFFF90]  }
0xa6: {  	v11 =	vld.idx.msk [tilespmem:v2+s3+$0x0], $0xffff  }
0xa7: {  	v12 =	vld.idx.msk [tilespmem:v3+s3+$0x0], $0xffff  }
0xa8: {  	v7 =	vld.idx.msk [tilespmem:v4+s3+$0x0], $0xffff  }
0xa9: {  	v5 =	vld.idx.msk [tilespmem:v5+s3+$0x0], $0xffff  }
0xaa: {  	v2 =	vld.idx.msk [tilespmem:v6+s3+$0x0], $0xffff  }
0xab: {  	s22 =	simm.s32 $0x1C7F0;
	v3 =	vld.idx.msk [tilespmem:v8+s3+$0x0], $0xffff  }
0xac: {  	v4 =	vld.idx.msk [tilespmem:v9+s3+$0x0], $0xffff;
	[tilespmem:s22+$0x0] =	vst v11  }
0xad: {  	s23 =	simm.s32 $0x0;
	s24 =	simm.s32 $0x197F0;
	v6 =	vld.idx.msk [tilespmem:v10+s3+$0x0], $0xffff;
	[tilespmem:s22+$0xFFFFFFA0] =	vst v12  }
.LBB2_8:
0xae: {  	v8 =	vld [tilespmem:s24+$0x0];
	s23 =	sadd.s32 $0x8, s23;
	[tilespmem:s22+$0xFFFFFFB0] =	vst v7  }
0xaf: {  	v7 =	vld [tilespmem:s24+$0xFFFFFFA0];
	p1 =	slt.u32 s23, $0xF8;
	[tilespmem:s22+$0xFFFFFFC0] =	vst v5  }
0xb0: {  	v5 =	vld [tilespmem:s24+$0xFFFFFFB0];
	[tilespmem:s22+$0xFFFFFFD0] =	vst v2  }
0xb1: {  	v2 =	vld [tilespmem:s24+$0xFFFFFFC0];
	[tilespmem:s22+$0xFFFFFFE0] =	vst v3  }
0xb2: {  	v3 =	vld [tilespmem:s24+$0xFFFFFFD0];
	[tilespmem:s22+$0xFFFFFFF0] =	vst v4  }
0xb3: {  	v4 =	vld [tilespmem:s24+$0xFFFFFFE0];
	[tilespmem:s22+$0xFFFFFF90] =	vst v6  }
0xb4: {  	v6 =	vld [tilespmem:s24+$0xFFFFFFF0]  }
0xb5: {  	v9 =	vld [tilespmem:s24+$0xFFFFFF90]  }
0xb6: {  	v8 =	vld.idx.msk [tilespmem:v8+s3+$0x0], $0xffff  }
0xb7: {  	v10 =	vld.idx.msk [tilespmem:v7+s3+$0x0], $0xffff  }
0xb8: {  	v7 =	vld.idx.msk [tilespmem:v5+s3+$0x0], $0xffff  }
.Ltmp3:
0xb9: {  	v5 =	vld.idx.msk [tilespmem:v2+s3+$0x0], $0xffff;
	(pc) =	sbr.rel @p1 .LBB2_8-.Ltmp3, $4  }
0xba: {  	v2 =	vld.idx.msk [tilespmem:v3+s3+$0x0], $0xffff  }
0xbb: {  	s22 =	sadd.s32 $0x100, s22;
	v3 =	vld.idx.msk [tilespmem:v4+s3+$0x0], $0xffff  }
0xbc: {  	v4 =	vld.idx.msk [tilespmem:v6+s3+$0x0], $0xffff;
	[tilespmem:s22+$0x0] =	vst v8  }
0xbd: {  	s24 =	sadd.s32 $0x80, s24;
	v6 =	vld.idx.msk [tilespmem:v9+s3+$0x0], $0xffff;
	[tilespmem:s22+$0xFFFFFFA0] =	vst v10  }
0xbe: {  	[tilespmem:s22+$0xFFFFFFB0] =	vst v7  }
0xbf: {  	[tilespmem:s22+$0xFFFFFFC0] =	vst v5  }
0xc0: {  	[tilespmem:s22+$0xFFFFFFD0] =	vst v2  }
0xc1: {  	[tilespmem:s22+$0xFFFFFFE0] =	vst v3  }
0xc2: {  	s23 =	simm.s32 $0x1C780;
	[tilespmem:s22+$0xFFFFFFF0] =	vst v4  }
0xc3: {  	s25 =	sadd.s32 $0x0, s6;
	s24 =	simm.s32 $0x1C880;
	[tilespmem:s22+$0xFFFFFF90] =	vst v6;
	s22 =	simm.s32 $0x80  }
.LBB2_10:
0xc4: {  	[hbm4b:s25+s3] =	stream.linear.scatter [tilespmem:s23], [sflag:$0x2], $0x80, $0x38;
	[tilespmem:$0x1EB00] =	vst v63  }
0xc5: {  	s25 =	smov.u32 s22;
	s23 =	smov.u32 s24;
	p1 =	sne.s32 s22, $0xF80  }
.Ltmp4:
0xc6: {  	s22 =	sadd.s32 $0x80, s22;
	(pc) =	sbr.rel @p1 .LBB2_10-.Ltmp4, $2  }
0xc7: {  	_ =	sdelay $0x2  }
0xc8: {  	s24 =	sadd.s32 $0x100, s24;
	s25 =	sadd.s32 s25, s6  }
0xc9: {  	[hbm4b:s25+s3] =	stream.linear.scatter [tilespmem:s23], [sflag:$0x2], $0x80, $0x38;
	[tilespmem:$0x1EB00] =	vst v63  }
0xca: {  	_ =	swait.ge [sflag:s20], $0x1000  }
0xcb: {  	[sflag:s20] =	ssyncset.done $0x0  }
0xcc: {  	s22 =	simm.s32 $0x1A770;
	[sflag:s20] =	ssyncadd.s32 $0xFFFFF000  }
0xcd: {  	v2 =	vld [tilespmem:s22+$0x0]  }
0xce: {  	v3 =	vld [tilespmem:s22+$0xFFFFFFA0]  }
0xcf: {  	v4 =	vld [tilespmem:s22+$0xFFFFFFB0]  }
0xd0: {  	v5 =	vld [tilespmem:s22+$0xFFFFFFC0]  }
0xd1: {  	v6 =	vld [tilespmem:s22+$0xFFFFFFD0]  }
0xd2: {  	v8 =	vld [tilespmem:s22+$0xFFFFFFE0]  }
0xd3: {  	v9 =	vld [tilespmem:s22+$0xFFFFFFF0]  }
0xd4: {  	v10 =	vld [tilespmem:s22+$0xFFFFFF90]  }
0xd5: {  	v11 =	vld.idx.msk [tilespmem:v2+s3+$0x0], $0xffff  }
0xd6: {  	v12 =	vld.idx.msk [tilespmem:v3+s3+$0x0], $0xffff  }
0xd7: {  	v7 =	vld.idx.msk [tilespmem:v4+s3+$0x0], $0xffff  }
0xd8: {  	v5 =	vld.idx.msk [tilespmem:v5+s3+$0x0], $0xffff  }
0xd9: {  	v2 =	vld.idx.msk [tilespmem:v6+s3+$0x0], $0xffff  }
0xda: {  	s22 =	simm.s32 $0x1C740;
	v3 =	vld.idx.msk [tilespmem:v8+s3+$0x0], $0xffff  }
0xdb: {  	v4 =	vld.idx.msk [tilespmem:v9+s3+$0x0], $0xffff;
	[tilespmem:s22+$0x30] =	vst v11  }
0xdc: {  	s23 =	simm.s32 $0x0;
	s24 =	simm.s32 $0x1A7F0;
	v6 =	vld.idx.msk [tilespmem:v10+s3+$0x0], $0xffff;
	[tilespmem:s22+$0xFFFFFFD0] =	vst v12  }
.LBB2_12:
0xdd: {  	v8 =	vld [tilespmem:s24+$0x0];
	s23 =	sadd.s32 $0x8, s23;
	[tilespmem:s22+$0xFFFFFFE0] =	vst v7  }
0xde: {  	v7 =	vld [tilespmem:s24+$0xFFFFFFA0];
	p1 =	slt.u32 s23, $0xF8;
	[tilespmem:s22+$0xFFFFFFF0] =	vst v5  }
0xdf: {  	v5 =	vld [tilespmem:s24+$0xFFFFFFB0];
	[tilespmem:s22+$0x0] =	vst v2  }
0xe0: {  	v2 =	vld [tilespmem:s24+$0xFFFFFFC0];
	[tilespmem:s22+$0x10] =	vst v3  }
0xe1: {  	v3 =	vld [tilespmem:s24+$0xFFFFFFD0];
	[tilespmem:s22+$0x20] =	vst v4  }
0xe2: {  	v4 =	vld [tilespmem:s24+$0xFFFFFFE0];
	[tilespmem:s22+$0xFFFFFFC0] =	vst v6  }
0xe3: {  	v6 =	vld [tilespmem:s24+$0xFFFFFFF0]  }
0xe4: {  	v9 =	vld [tilespmem:s24+$0xFFFFFF90]  }
0xe5: {  	v8 =	vld.idx.msk [tilespmem:v8+s3+$0x0], $0xffff  }
0xe6: {  	v10 =	vld.idx.msk [tilespmem:v7+s3+$0x0], $0xffff  }
0xe7: {  	v7 =	vld.idx.msk [tilespmem:v5+s3+$0x0], $0xffff  }
.Ltmp5:
0xe8: {  	v5 =	vld.idx.msk [tilespmem:v2+s3+$0x0], $0xffff;
	(pc) =	sbr.rel @p1 .LBB2_12-.Ltmp5, $4  }
0xe9: {  	v2 =	vld.idx.msk [tilespmem:v3+s3+$0x0], $0xffff  }
0xea: {  	s22 =	sadd.s32 $0x100, s22;
	v3 =	vld.idx.msk [tilespmem:v4+s3+$0x0], $0xffff  }
0xeb: {  	v4 =	vld.idx.msk [tilespmem:v6+s3+$0x0], $0xffff;
	[tilespmem:s22+$0x30] =	vst v8  }
0xec: {  	s24 =	sadd.s32 $0x80, s24;
	v6 =	vld.idx.msk [tilespmem:v9+s3+$0x0], $0xffff;
	[tilespmem:s22+$0xFFFFFFD0] =	vst v10  }
0xed: {  	[tilespmem:s22+$0xFFFFFFE0] =	vst v7  }
0xee: {  	[tilespmem:s22+$0xFFFFFFF0] =	vst v5  }
0xef: {  	[tilespmem:s22+$0x0] =	vst v2  }
0xf0: {  	[tilespmem:s22+$0x10] =	vst v3  }
0xf1: {  	s23 =	simm.s32 $0x1C700;
	[tilespmem:s22+$0x20] =	vst v4  }
0xf2: {  	s25 =	sadd.s32 $0x0, s7;
	s24 =	simm.s32 $0x1C800;
	[tilespmem:s22+$0xFFFFFFC0] =	vst v6;
	s22 =	simm.s32 $0x80  }
.LBB2_14:
0xf3: {  	[hbm4b:s25+s3] =	stream.linear.scatter [tilespmem:s23], [sflag:$0x2], $0x80, $0x38;
	[tilespmem:$0x1EB00] =	vst v63  }
0xf4: {  	s25 =	smov.u32 s22;
	s23 =	smov.u32 s24;
	p1 =	sne.s32 s22, $0xF80  }
.Ltmp6:
0xf5: {  	s22 =	sadd.s32 $0x80, s22;
	(pc) =	sbr.rel @p1 .LBB2_14-.Ltmp6, $2  }
0xf6: {  	_ =	sdelay $0x2  }
0xf7: {  	s24 =	sadd.s32 $0x100, s24;
	s25 =	sadd.s32 s25, s7  }
0xf8: {  	[hbm4b:s25+s3] =	stream.linear.scatter [tilespmem:s23], [sflag:$0x2], $0x80, $0x38;
	[tilespmem:$0x1EB00] =	vst v63  }
0xf9: {  	_ =	swait.ge [sflag:s20], $0x1000  }
0xfa: {  	[sflag:s20] =	ssyncset.done $0x0  }
0xfb: {  	s22 =	simm.s32 $0x1B770;
	[sflag:s20] =	ssyncadd.s32 $0xFFFFF000  }
0xfc: {  	v2 =	vld [tilespmem:s22+$0x0]  }
0xfd: {  	v3 =	vld [tilespmem:s22+$0xFFFFFFA0]  }
0xfe: {  	v4 =	vld [tilespmem:s22+$0xFFFFFFB0]  }
0xff: {  	v5 =	vld [tilespmem:s22+$0xFFFFFFC0]  }
0x100: {  	v6 =	vld [tilespmem:s22+$0xFFFFFFD0]  }
0x101: {  	v8 =	vld [tilespmem:s22+$0xFFFFFFE0]  }
0x102: {  	v9 =	vld [tilespmem:s22+$0xFFFFFFF0]  }
0x103: {  	v10 =	vld [tilespmem:s22+$0xFFFFFF90]  }
0x104: {  	v11 =	vld.idx.msk [tilespmem:v2+s3+$0x0], $0xffff  }
0x105: {  	v12 =	vld.idx.msk [tilespmem:v3+s3+$0x0], $0xffff  }
0x106: {  	v7 =	vld.idx.msk [tilespmem:v4+s3+$0x0], $0xffff  }
0x107: {  	v5 =	vld.idx.msk [tilespmem:v5+s3+$0x0], $0xffff  }
0x108: {  	v2 =	vld.idx.msk [tilespmem:v6+s3+$0x0], $0xffff  }
0x109: {  	s22 =	simm.s32 $0x1C7F0;
	v3 =	vld.idx.msk [tilespmem:v8+s3+$0x0], $0xffff  }
0x10a: {  	v4 =	vld.idx.msk [tilespmem:v9+s3+$0x0], $0xffff;
	[tilespmem:s22+$0x0] =	vst v11  }
0x10b: {  	s23 =	simm.s32 $0x0;
	s24 =	simm.s32 $0x1B7F0;
	v6 =	vld.idx.msk [tilespmem:v10+s3+$0x0], $0xffff;
	[tilespmem:s22+$0xFFFFFFA0] =	vst v12  }
.LBB2_16:
0x10c: {  	v8 =	vld [tilespmem:s24+$0x0];
	s23 =	sadd.s32 $0x8, s23;
	[tilespmem:s22+$0xFFFFFFB0] =	vst v7  }
0x10d: {  	v7 =	vld [tilespmem:s24+$0xFFFFFFA0];
	p1 =	slt.u32 s23, $0xF8;
	[tilespmem:s22+$0xFFFFFFC0] =	vst v5  }
0x10e: {  	v5 =	vld [tilespmem:s24+$0xFFFFFFB0];
	[tilespmem:s22+$0xFFFFFFD0] =	vst v2  }
0x10f: {  	v2 =	vld [tilespmem:s24+$0xFFFFFFC0];
	[tilespmem:s22+$0xFFFFFFE0] =	vst v3  }
0x110: {  	v3 =	vld [tilespmem:s24+$0xFFFFFFD0];
	[tilespmem:s22+$0xFFFFFFF0] =	vst v4  }
0x111: {  	v4 =	vld [tilespmem:s24+$0xFFFFFFE0];
	[tilespmem:s22+$0xFFFFFF90] =	vst v6  }
0x112: {  	v6 =	vld [tilespmem:s24+$0xFFFFFFF0]  }
0x113: {  	v9 =	vld [tilespmem:s24+$0xFFFFFF90]  }
0x114: {  	v8 =	vld.idx.msk [tilespmem:v8+s3+$0x0], $0xffff  }
0x115: {  	v10 =	vld.idx.msk [tilespmem:v7+s3+$0x0], $0xffff  }
0x116: {  	v7 =	vld.idx.msk [tilespmem:v5+s3+$0x0], $0xffff  }
.Ltmp7:
0x117: {  	v5 =	vld.idx.msk [tilespmem:v2+s3+$0x0], $0xffff;
	(pc) =	sbr.rel @p1 .LBB2_16-.Ltmp7, $4  }
0x118: {  	v2 =	vld.idx.msk [tilespmem:v3+s3+$0x0], $0xffff  }
0x119: {  	s22 =	sadd.s32 $0x100, s22;
	v3 =	vld.idx.msk [tilespmem:v4+s3+$0x0], $0xffff  }
0x11a: {  	v4 =	vld.idx.msk [tilespmem:v6+s3+$0x0], $0xffff;
	[tilespmem:s22+$0x0] =	vst v8  }
0x11b: {  	s24 =	sadd.s32 $0x80, s24;
	v6 =	vld.idx.msk [tilespmem:v9+s3+$0x0], $0xffff;
	[tilespmem:s22+$0xFFFFFFA0] =	vst v10  }
0x11c: {  	[tilespmem:s22+$0xFFFFFFB0] =	vst v7  }
0x11d: {  	[tilespmem:s22+$0xFFFFFFC0] =	vst v5  }
0x11e: {  	[tilespmem:s22+$0xFFFFFFD0] =	vst v2  }
0x11f: {  	[tilespmem:s22+$0xFFFFFFE0] =	vst v3  }
0x120: {  	s23 =	simm.s32 $0x1C780;
	[tilespmem:s22+$0xFFFFFFF0] =	vst v4  }
0x121: {  	s25 =	sadd.s32 $0x0, s8;
	s24 =	simm.s32 $0x1C880;
	[tilespmem:s22+$0xFFFFFF90] =	vst v6;
	s22 =	simm.s32 $0x80  }
.LBB2_18:
0x122: {  	[hbm4b:s25+s3] =	stream.linear.scatter [tilespmem:s23], [sflag:$0x2], $0x80, $0x38;
	[tilespmem:$0x1EB00] =	vst v63  }
0x123: {  	s25 =	smov.u32 s22;
	s23 =	smov.u32 s24;
	p1 =	sne.s32 s22, $0xF80  }
.Ltmp8:
0x124: {  	s22 =	sadd.s32 $0x80, s22;
	(pc) =	sbr.rel @p1 .LBB2_18-.Ltmp8, $2  }
0x125: {  	_ =	sdelay $0x2  }
0x126: {  	s24 =	sadd.s32 $0x100, s24;
	s25 =	sadd.s32 s25, s8  }
0x127: {  	[hbm4b:s25+s3] =	stream.linear.scatter [tilespmem:s23], [sflag:$0x2], $0x80, $0x38;
	[tilespmem:$0x1EB00] =	vst v63  }
0x128: {  	_ = 	snop  }
0x129: {  	[tilespmem:s3], [sflag:$0x1] =	stream.strided.gather [hbm4b:s9+s15], $0x18700, s16, s15, $0x38;
	[tilespmem:$0x1EB00] =	vst v63  }
0x12a: {  	_ =	swait.ge [sflag:s19], $0x18700  }
0x12b: {  	[sflag:s19] =	ssyncset.done $0x0  }
0x12c: {  	[sflag:s19] =	ssyncadd.s32 $0xFFFE7900  }
0x12d: {  	_ =	swait.ge [sflag:s20], $0x1000  }
0x12e: {  	[sflag:s20] =	ssyncset.done $0x0  }
0x12f: {  	s22 =	simm.s32 $0x18740;
	[sflag:s20] =	ssyncadd.s32 $0xFFFFF000  }
0x130: {  	v2 =	vld [tilespmem:s22+$0x30]  }
0x131: {  	v3 =	vld [tilespmem:s22+$0xFFFFFFD0]  }
0x132: {  	v4 =	vld [tilespmem:s22+$0xFFFFFFE0]  }
0x133: {  	v5 =	vld [tilespmem:s22+$0xFFFFFFF0]  }
0x134: {  	v6 =	vld [tilespmem:s22+$0x0]  }
0x135: {  	v8 =	vld [tilespmem:s22+$0x10]  }
0x136: {  	v9 =	vld [tilespmem:s22+$0x20]  }
0x137: {  	v10 =	vld [tilespmem:s22+$0xFFFFFFC0]  }
0x138: {  	v11 =	vld.idx.msk [tilespmem:v2+s3+$0x0], $0xffff  }
0x139: {  	v12 =	vld.idx.msk [tilespmem:v3+s3+$0x0], $0xffff  }
0x13a: {  	v7 =	vld.idx.msk [tilespmem:v4+s3+$0x0], $0xffff  }
0x13b: {  	v5 =	vld.idx.msk [tilespmem:v5+s3+$0x0], $0xffff  }
0x13c: {  	v2 =	vld.idx.msk [tilespmem:v6+s3+$0x0], $0xffff  }
0x13d: {  	s22 =	simm.s32 $0x1C740;
	v3 =	vld.idx.msk [tilespmem:v8+s3+$0x0], $0xffff  }
0x13e: {  	v4 =	vld.idx.msk [tilespmem:v9+s3+$0x0], $0xffff;
	[tilespmem:s22+$0x30] =	vst v11  }
0x13f: {  	s23 =	simm.s32 $0x0;
	s24 =	simm.s32 $0x187C0;
	v6 =	vld.idx.msk [tilespmem:v10+s3+$0x0], $0xffff;
	[tilespmem:s22+$0xFFFFFFD0] =	vst v12  }
.LBB2_20:
0x140: {  	v8 =	vld [tilespmem:s24+$0x30];
	s23 =	sadd.s32 $0x8, s23;
	[tilespmem:s22+$0xFFFFFFE0] =	vst v7  }
0x141: {  	v7 =	vld [tilespmem:s24+$0xFFFFFFD0];
	p1 =	slt.u32 s23, $0xF8;
	[tilespmem:s22+$0xFFFFFFF0] =	vst v5  }
0x142: {  	v5 =	vld [tilespmem:s24+$0xFFFFFFE0];
	[tilespmem:s22+$0x0] =	vst v2  }
0x143: {  	v2 =	vld [tilespmem:s24+$0xFFFFFFF0];
	[tilespmem:s22+$0x10] =	vst v3  }
0x144: {  	v3 =	vld [tilespmem:s24+$0x0];
	[tilespmem:s22+$0x20] =	vst v4  }
0x145: {  	v4 =	vld [tilespmem:s24+$0x10];
	[tilespmem:s22+$0xFFFFFFC0] =	vst v6  }
0x146: {  	v6 =	vld [tilespmem:s24+$0x20]  }
0x147: {  	v9 =	vld [tilespmem:s24+$0xFFFFFFC0]  }
0x148: {  	v8 =	vld.idx.msk [tilespmem:v8+s3+$0x0], $0xffff  }
0x149: {  	v10 =	vld.idx.msk [tilespmem:v7+s3+$0x0], $0xffff  }
0x14a: {  	v7 =	vld.idx.msk [tilespmem:v5+s3+$0x0], $0xffff  }
.Ltmp9:
0x14b: {  	v5 =	vld.idx.msk [tilespmem:v2+s3+$0x0], $0xffff;
	(pc) =	sbr.rel @p1 .LBB2_20-.Ltmp9, $4  }
0x14c: {  	v2 =	vld.idx.msk [tilespmem:v3+s3+$0x0], $0xffff  }
0x14d: {  	s22 =	sadd.s32 $0x100, s22;
	v3 =	vld.idx.msk [tilespmem:v4+s3+$0x0], $0xffff  }
0x14e: {  	v4 =	vld.idx.msk [tilespmem:v6+s3+$0x0], $0xffff;
	[tilespmem:s22+$0x30] =	vst v8  }
0x14f: {  	s24 =	sadd.s32 $0x80, s24;
	v6 =	vld.idx.msk [tilespmem:v9+s3+$0x0], $0xffff;
	[tilespmem:s22+$0xFFFFFFD0] =	vst v10  }
0x150: {  	[tilespmem:s22+$0xFFFFFFE0] =	vst v7  }
0x151: {  	[tilespmem:s22+$0xFFFFFFF0] =	vst v5  }
0x152: {  	[tilespmem:s22+$0x0] =	vst v2  }
0x153: {  	[tilespmem:s22+$0x10] =	vst v3  }
0x154: {  	s23 =	simm.s32 $0x1C700;
	[tilespmem:s22+$0x20] =	vst v4  }
0x155: {  	s25 =	sadd.s32 $0x0, s10;
	s24 =	simm.s32 $0x1C800;
	[tilespmem:s22+$0xFFFFFFC0] =	vst v6;
	s22 =	simm.s32 $0x80  }
.LBB2_22:
0x156: {  	[hbm4b:s25+s3] =	stream.linear.scatter [tilespmem:s23], [sflag:$0x2], $0x80, $0x38;
	[tilespmem:$0x1EB00] =	vst v63  }
0x157: {  	s25 =	smov.u32 s22;
	s23 =	smov.u32 s24;
	p1 =	sne.s32 s22, $0xF80  }
.Ltmp10:
0x158: {  	s22 =	sadd.s32 $0x80, s22;
	(pc) =	sbr.rel @p1 .LBB2_22-.Ltmp10, $2  }
0x159: {  	_ =	sdelay $0x2  }
0x15a: {  	s24 =	sadd.s32 $0x100, s24;
	s25 =	sadd.s32 s25, s10  }
0x15b: {  	[hbm4b:s25+s3] =	stream.linear.scatter [tilespmem:s23], [sflag:$0x2], $0x80, $0x38;
	[tilespmem:$0x1EB00] =	vst v63  }
0x15c: {  	_ =	swait.ge [sflag:s20], $0x1000  }
0x15d: {  	[sflag:s20] =	ssyncset.done $0x0  }
0x15e: {  	s22 =	simm.s32 $0x19770;
	[sflag:s20] =	ssyncadd.s32 $0xFFFFF000  }
0x15f: {  	v2 =	vld [tilespmem:s22+$0x0]  }
0x160: {  	v3 =	vld [tilespmem:s22+$0xFFFFFFA0]  }
0x161: {  	v4 =	vld [tilespmem:s22+$0xFFFFFFB0]  }
0x162: {  	v5 =	vld [tilespmem:s22+$0xFFFFFFC0]  }
0x163: {  	v6 =	vld [tilespmem:s22+$0xFFFFFFD0]  }
0x164: {  	v8 =	vld [tilespmem:s22+$0xFFFFFFE0]  }
0x165: {  	v9 =	vld [tilespmem:s22+$0xFFFFFFF0]  }
0x166: {  	v10 =	vld [tilespmem:s22+$0xFFFFFF90]  }
0x167: {  	v11 =	vld.idx.msk [tilespmem:v2+s3+$0x0], $0xffff  }
0x168: {  	v12 =	vld.idx.msk [tilespmem:v3+s3+$0x0], $0xffff  }
0x169: {  	v7 =	vld.idx.msk [tilespmem:v4+s3+$0x0], $0xffff  }
0x16a: {  	v5 =	vld.idx.msk [tilespmem:v5+s3+$0x0], $0xffff  }
0x16b: {  	v2 =	vld.idx.msk [tilespmem:v6+s3+$0x0], $0xffff  }
0x16c: {  	s22 =	simm.s32 $0x1C7F0;
	v3 =	vld.idx.msk [tilespmem:v8+s3+$0x0], $0xffff  }
0x16d: {  	v4 =	vld.idx.msk [tilespmem:v9+s3+$0x0], $0xffff;
	[tilespmem:s22+$0x0] =	vst v11  }
0x16e: {  	s23 =	simm.s32 $0x0;
	s24 =	simm.s32 $0x197F0;
	v6 =	vld.idx.msk [tilespmem:v10+s3+$0x0], $0xffff;
	[tilespmem:s22+$0xFFFFFFA0] =	vst v12  }
.LBB2_24:
0x16f: {  	v8 =	vld [tilespmem:s24+$0x0];
	s23 =	sadd.s32 $0x8, s23;
	[tilespmem:s22+$0xFFFFFFB0] =	vst v7  }
0x170: {  	v7 =	vld [tilespmem:s24+$0xFFFFFFA0];
	p1 =	slt.u32 s23, $0xF8;
	[tilespmem:s22+$0xFFFFFFC0] =	vst v5  }
0x171: {  	v5 =	vld [tilespmem:s24+$0xFFFFFFB0];
	[tilespmem:s22+$0xFFFFFFD0] =	vst v2  }
0x172: {  	v2 =	vld [tilespmem:s24+$0xFFFFFFC0];
	[tilespmem:s22+$0xFFFFFFE0] =	vst v3  }
0x173: {  	v3 =	vld [tilespmem:s24+$0xFFFFFFD0];
	[tilespmem:s22+$0xFFFFFFF0] =	vst v4  }
0x174: {  	v4 =	vld [tilespmem:s24+$0xFFFFFFE0];
	[tilespmem:s22+$0xFFFFFF90] =	vst v6  }
0x175: {  	v6 =	vld [tilespmem:s24+$0xFFFFFFF0]  }
0x176: {  	v9 =	vld [tilespmem:s24+$0xFFFFFF90]  }
0x177: {  	v8 =	vld.idx.msk [tilespmem:v8+s3+$0x0], $0xffff  }
0x178: {  	v10 =	vld.idx.msk [tilespmem:v7+s3+$0x0], $0xffff  }
0x179: {  	v7 =	vld.idx.msk [tilespmem:v5+s3+$0x0], $0xffff  }
.Ltmp11:
0x17a: {  	v5 =	vld.idx.msk [tilespmem:v2+s3+$0x0], $0xffff;
	(pc) =	sbr.rel @p1 .LBB2_24-.Ltmp11, $4  }
0x17b: {  	v2 =	vld.idx.msk [tilespmem:v3+s3+$0x0], $0xffff  }
0x17c: {  	s22 =	sadd.s32 $0x100, s22;
	v3 =	vld.idx.msk [tilespmem:v4+s3+$0x0], $0xffff  }
0x17d: {  	v4 =	vld.idx.msk [tilespmem:v6+s3+$0x0], $0xffff;
	[tilespmem:s22+$0x0] =	vst v8  }
0x17e: {  	s24 =	sadd.s32 $0x80, s24;
	v6 =	vld.idx.msk [tilespmem:v9+s3+$0x0], $0xffff;
	[tilespmem:s22+$0xFFFFFFA0] =	vst v10  }
0x17f: {  	[tilespmem:s22+$0xFFFFFFB0] =	vst v7  }
0x180: {  	[tilespmem:s22+$0xFFFFFFC0] =	vst v5  }
0x181: {  	[tilespmem:s22+$0xFFFFFFD0] =	vst v2  }
0x182: {  	[tilespmem:s22+$0xFFFFFFE0] =	vst v3  }
0x183: {  	s23 =	simm.s32 $0x1C780;
	[tilespmem:s22+$0xFFFFFFF0] =	vst v4  }
0x184: {  	s25 =	sadd.s32 $0x0, s11;
	s24 =	simm.s32 $0x1C880;
	[tilespmem:s22+$0xFFFFFF90] =	vst v6;
	s22 =	simm.s32 $0x80  }
.LBB2_26:
0x185: {  	[hbm4b:s25+s3] =	stream.linear.scatter [tilespmem:s23], [sflag:$0x2], $0x80, $0x38;
	[tilespmem:$0x1EB00] =	vst v63  }
0x186: {  	s25 =	smov.u32 s22;
	s23 =	smov.u32 s24;
	p1 =	sne.s32 s22, $0xF80  }
.Ltmp12:
0x187: {  	s22 =	sadd.s32 $0x80, s22;
	(pc) =	sbr.rel @p1 .LBB2_26-.Ltmp12, $2  }
0x188: {  	_ =	sdelay $0x2  }
0x189: {  	s24 =	sadd.s32 $0x100, s24;
	s25 =	sadd.s32 s25, s11  }
0x18a: {  	[hbm4b:s25+s3] =	stream.linear.scatter [tilespmem:s23], [sflag:$0x2], $0x80, $0x38;
	[tilespmem:$0x1EB00] =	vst v63  }
0x18b: {  	_ =	swait.ge [sflag:s20], $0x1000  }
0x18c: {  	[sflag:s20] =	ssyncset.done $0x0  }
0x18d: {  	s22 =	simm.s32 $0x1A770;
	[sflag:s20] =	ssyncadd.s32 $0xFFFFF000  }
0x18e: {  	v2 =	vld [tilespmem:s22+$0x0]  }
0x18f: {  	v3 =	vld [tilespmem:s22+$0xFFFFFFA0]  }
0x190: {  	v4 =	vld [tilespmem:s22+$0xFFFFFFB0]  }
0x191: {  	v5 =	vld [tilespmem:s22+$0xFFFFFFC0]  }
0x192: {  	v6 =	vld [tilespmem:s22+$0xFFFFFFD0]  }
0x193: {  	v8 =	vld [tilespmem:s22+$0xFFFFFFE0]  }
0x194: {  	v9 =	vld [tilespmem:s22+$0xFFFFFFF0]  }
0x195: {  	v10 =	vld [tilespmem:s22+$0xFFFFFF90]  }
0x196: {  	v11 =	vld.idx.msk [tilespmem:v2+s3+$0x0], $0xffff  }
0x197: {  	v12 =	vld.idx.msk [tilespmem:v3+s3+$0x0], $0xffff  }
0x198: {  	v7 =	vld.idx.msk [tilespmem:v4+s3+$0x0], $0xffff  }
0x199: {  	v5 =	vld.idx.msk [tilespmem:v5+s3+$0x0], $0xffff  }
0x19a: {  	v2 =	vld.idx.msk [tilespmem:v6+s3+$0x0], $0xffff  }
0x19b: {  	s22 =	simm.s32 $0x1C740;
	v3 =	vld.idx.msk [tilespmem:v8+s3+$0x0], $0xffff  }
0x19c: {  	v4 =	vld.idx.msk [tilespmem:v9+s3+$0x0], $0xffff;
	[tilespmem:s22+$0x30] =	vst v11  }
0x19d: {  	s23 =	simm.s32 $0x0;
	s24 =	simm.s32 $0x1A7F0;
	v6 =	vld.idx.msk [tilespmem:v10+s3+$0x0], $0xffff;
	[tilespmem:s22+$0xFFFFFFD0] =	vst v12  }
.LBB2_28:
0x19e: {  	v8 =	vld [tilespmem:s24+$0x0];
	s23 =	sadd.s32 $0x8, s23;
	[tilespmem:s22+$0xFFFFFFE0] =	vst v7  }
0x19f: {  	v7 =	vld [tilespmem:s24+$0xFFFFFFA0];
	p1 =	slt.u32 s23, $0xF8;
	[tilespmem:s22+$0xFFFFFFF0] =	vst v5  }
0x1a0: {  	v5 =	vld [tilespmem:s24+$0xFFFFFFB0];
	[tilespmem:s22+$0x0] =	vst v2  }
0x1a1: {  	v2 =	vld [tilespmem:s24+$0xFFFFFFC0];
	[tilespmem:s22+$0x10] =	vst v3  }
0x1a2: {  	v3 =	vld [tilespmem:s24+$0xFFFFFFD0];
	[tilespmem:s22+$0x20] =	vst v4  }
0x1a3: {  	v4 =	vld [tilespmem:s24+$0xFFFFFFE0];
	[tilespmem:s22+$0xFFFFFFC0] =	vst v6  }
0x1a4: {  	v6 =	vld [tilespmem:s24+$0xFFFFFFF0]  }
0x1a5: {  	v9 =	vld [tilespmem:s24+$0xFFFFFF90]  }
0x1a6: {  	v8 =	vld.idx.msk [tilespmem:v8+s3+$0x0], $0xffff  }
0x1a7: {  	v10 =	vld.idx.msk [tilespmem:v7+s3+$0x0], $0xffff  }
0x1a8: {  	v7 =	vld.idx.msk [tilespmem:v5+s3+$0x0], $0xffff  }
.Ltmp13:
0x1a9: {  	v5 =	vld.idx.msk [tilespmem:v2+s3+$0x0], $0xffff;
	(pc) =	sbr.rel @p1 .LBB2_28-.Ltmp13, $4  }
0x1aa: {  	v2 =	vld.idx.msk [tilespmem:v3+s3+$0x0], $0xffff  }
0x1ab: {  	s22 =	sadd.s32 $0x100, s22;
	v3 =	vld.idx.msk [tilespmem:v4+s3+$0x0], $0xffff  }
0x1ac: {  	v4 =	vld.idx.msk [tilespmem:v6+s3+$0x0], $0xffff;
	[tilespmem:s22+$0x30] =	vst v8  }
0x1ad: {  	s24 =	sadd.s32 $0x80, s24;
	v6 =	vld.idx.msk [tilespmem:v9+s3+$0x0], $0xffff;
	[tilespmem:s22+$0xFFFFFFD0] =	vst v10  }
0x1ae: {  	[tilespmem:s22+$0xFFFFFFE0] =	vst v7  }
0x1af: {  	[tilespmem:s22+$0xFFFFFFF0] =	vst v5  }
0x1b0: {  	[tilespmem:s22+$0x0] =	vst v2  }
0x1b1: {  	[tilespmem:s22+$0x10] =	vst v3  }
0x1b2: {  	s23 =	simm.s32 $0x1C700;
	[tilespmem:s22+$0x20] =	vst v4  }
0x1b3: {  	s25 =	sadd.s32 $0x0, s12;
	s24 =	simm.s32 $0x1C800;
	[tilespmem:s22+$0xFFFFFFC0] =	vst v6;
	s22 =	simm.s32 $0x80  }
.LBB2_30:
0x1b4: {  	[hbm4b:s25+s3] =	stream.linear.scatter [tilespmem:s23], [sflag:$0x2], $0x80, $0x38;
	[tilespmem:$0x1EB00] =	vst v63  }
0x1b5: {  	s25 =	smov.u32 s22;
	s23 =	smov.u32 s24;
	p1 =	sne.s32 s22, $0xF80  }
.Ltmp14:
0x1b6: {  	s22 =	sadd.s32 $0x80, s22;
	(pc) =	sbr.rel @p1 .LBB2_30-.Ltmp14, $2  }
0x1b7: {  	_ =	sdelay $0x2  }
0x1b8: {  	s24 =	sadd.s32 $0x100, s24;
	s25 =	sadd.s32 s25, s12  }
0x1b9: {  	[hbm4b:s25+s3] =	stream.linear.scatter [tilespmem:s23], [sflag:$0x2], $0x80, $0x38;
	[tilespmem:$0x1EB00] =	vst v63  }
0x1ba: {  	_ =	swait.ge [sflag:s20], $0x1000  }
0x1bb: {  	[sflag:s20] =	ssyncset.done $0x0  }
0x1bc: {  	s22 =	simm.s32 $0x1B770;
	[sflag:s20] =	ssyncadd.s32 $0xFFFFF000  }
0x1bd: {  	v2 =	vld [tilespmem:s22+$0x0]  }
0x1be: {  	v3 =	vld [tilespmem:s22+$0xFFFFFFA0]  }
0x1bf: {  	v4 =	vld [tilespmem:s22+$0xFFFFFFB0]  }
0x1c0: {  	v5 =	vld [tilespmem:s22+$0xFFFFFFC0]  }
0x1c1: {  	v6 =	vld [tilespmem:s22+$0xFFFFFFD0]  }
0x1c2: {  	v8 =	vld [tilespmem:s22+$0xFFFFFFE0]  }
0x1c3: {  	v9 =	vld [tilespmem:s22+$0xFFFFFFF0]  }
0x1c4: {  	v10 =	vld [tilespmem:s22+$0xFFFFFF90]  }
0x1c5: {  	v11 =	vld.idx.msk [tilespmem:v2+s3+$0x0], $0xffff  }
0x1c6: {  	v12 =	vld.idx.msk [tilespmem:v3+s3+$0x0], $0xffff  }
0x1c7: {  	v7 =	vld.idx.msk [tilespmem:v4+s3+$0x0], $0xffff  }
0x1c8: {  	v5 =	vld.idx.msk [tilespmem:v5+s3+$0x0], $0xffff  }
0x1c9: {  	v2 =	vld.idx.msk [tilespmem:v6+s3+$0x0], $0xffff  }
0x1ca: {  	s22 =	simm.s32 $0x1C7F0;
	v3 =	vld.idx.msk [tilespmem:v8+s3+$0x0], $0xffff  }
0x1cb: {  	v4 =	vld.idx.msk [tilespmem:v9+s3+$0x0], $0xffff;
	[tilespmem:s22+$0x0] =	vst v11  }
0x1cc: {  	s23 =	simm.s32 $0x0;
	s24 =	simm.s32 $0x1B7F0;
	v6 =	vld.idx.msk [tilespmem:v10+s3+$0x0], $0xffff;
	[tilespmem:s22+$0xFFFFFFA0] =	vst v12  }
.LBB2_32:
0x1cd: {  	v8 =	vld [tilespmem:s24+$0x0];
	s23 =	sadd.s32 $0x8, s23;
	[tilespmem:s22+$0xFFFFFFB0] =	vst v7  }
0x1ce: {  	v7 =	vld [tilespmem:s24+$0xFFFFFFA0];
	p1 =	slt.u32 s23, $0xF8;
	[tilespmem:s22+$0xFFFFFFC0] =	vst v5  }
0x1cf: {  	v5 =	vld [tilespmem:s24+$0xFFFFFFB0];
	[tilespmem:s22+$0xFFFFFFD0] =	vst v2  }
0x1d0: {  	v2 =	vld [tilespmem:s24+$0xFFFFFFC0];
	[tilespmem:s22+$0xFFFFFFE0] =	vst v3  }
0x1d1: {  	v3 =	vld [tilespmem:s24+$0xFFFFFFD0];
	[tilespmem:s22+$0xFFFFFFF0] =	vst v4  }
0x1d2: {  	v4 =	vld [tilespmem:s24+$0xFFFFFFE0];
	[tilespmem:s22+$0xFFFFFF90] =	vst v6  }
0x1d3: {  	v6 =	vld [tilespmem:s24+$0xFFFFFFF0]  }
0x1d4: {  	v9 =	vld [tilespmem:s24+$0xFFFFFF90]  }
0x1d5: {  	v8 =	vld.idx.msk [tilespmem:v8+s3+$0x0], $0xffff  }
0x1d6: {  	v10 =	vld.idx.msk [tilespmem:v7+s3+$0x0], $0xffff  }
0x1d7: {  	v7 =	vld.idx.msk [tilespmem:v5+s3+$0x0], $0xffff  }
.Ltmp15:
0x1d8: {  	v5 =	vld.idx.msk [tilespmem:v2+s3+$0x0], $0xffff;
	(pc) =	sbr.rel @p1 .LBB2_32-.Ltmp15, $4  }
0x1d9: {  	v2 =	vld.idx.msk [tilespmem:v3+s3+$0x0], $0xffff  }
0x1da: {  	s22 =	sadd.s32 $0x100, s22;
	v3 =	vld.idx.msk [tilespmem:v4+s3+$0x0], $0xffff  }
0x1db: {  	v4 =	vld.idx.msk [tilespmem:v6+s3+$0x0], $0xffff;
	[tilespmem:s22+$0x0] =	vst v8  }
0x1dc: {  	s24 =	sadd.s32 $0x80, s24;
	v6 =	vld.idx.msk [tilespmem:v9+s3+$0x0], $0xffff;
	[tilespmem:s22+$0xFFFFFFA0] =	vst v10  }
0x1dd: {  	[tilespmem:s22+$0xFFFFFFB0] =	vst v7  }
0x1de: {  	[tilespmem:s22+$0xFFFFFFC0] =	vst v5  }
0x1df: {  	[tilespmem:s22+$0xFFFFFFD0] =	vst v2  }
0x1e0: {  	[tilespmem:s22+$0xFFFFFFE0] =	vst v3  }
0x1e1: {  	s23 =	simm.s32 $0x1C780;
	[tilespmem:s22+$0xFFFFFFF0] =	vst v4  }
0x1e2: {  	s25 =	sadd.s32 $0x0, s13;
	s24 =	simm.s32 $0x1C880;
	[tilespmem:s22+$0xFFFFFF90] =	vst v6;
	s22 =	simm.s32 $0x80  }
.LBB2_34:
0x1e3: {  	[hbm4b:s25+s3] =	stream.linear.scatter [tilespmem:s23], [sflag:$0x2], $0x80, $0x38;
	[tilespmem:$0x1EB00] =	vst v63  }
0x1e4: {  	s25 =	smov.u32 s22;
	s23 =	smov.u32 s24;
	p1 =	sne.s32 s22, $0xF80  }
.Ltmp16:
0x1e5: {  	s22 =	sadd.s32 $0x80, s22;
	(pc) =	sbr.rel @p1 .LBB2_34-.Ltmp16, $2  }
0x1e6: {  	_ =	sdelay $0x2  }
0x1e7: {  	s24 =	sadd.s32 $0x100, s24;
	s25 =	sadd.s32 s25, s13  }
0x1e8: {  	[hbm4b:s25+s3] =	stream.linear.scatter [tilespmem:s23], [sflag:$0x2], $0x80, $0x38;
	[tilespmem:$0x1EB00] =	vst v63  }
0x1e9: {  	s21 =	sadd.s32 $0x1, s21  }
0x1ea: {  	_ =	swait.ge [sflag:s20], $0x1000;
	p1 =	sne.s32 s21, s14  }
.Ltmp17:
0x1eb: {  	[sflag:s20] =	ssyncset.done $0x0;
	(pc) =	sbr.rel @p1 .LBB2_1-.Ltmp17, $4  }
0x1ec: {  	[sflag:s20] =	ssyncadd.s32 $0xFFFFF000  }
0x1ed: {  	_ =	swait.ge [sflag:s20], $0x1000  }
0x1ee: {  	[sflag:s20] =	ssyncset.done $0x0  }
0x1ef: {  	[sflag:s20] =	ssyncadd.s32 $0xFFFFF000  }
0x1f0: {  	_ =	sfence.sel $0x180000  }
0x1f1: {  	[bflag:$0x0] =	sbarrier.arrive $0xFFFF  }
0x1f2: {  	_ =	strace $0x90000047  }
0x1f3: {  	s0 =	sadd.s32 @!p0 $0x100000, s0;
	[bflag:$0x2] =	sbarrier.arrive $0xFFFF  }
0x1f4: {  	[sflag:s0] =	ssyncadd.tile.s32 @!p0 $0x1;
	_ =	shalt  }
.Lfunc_end2:
_tile_overlayer_lowered:
.L_overlay_start_2:
0x1f5: {  	(tag) =	ssettag $0x2  }
0x1f6: {  	s0 =	rddreg [dreg:$0x0];
	s2 =	stileid.u32  }
0x1f7: {  	s1 =	rddreg [dreg:$0x1];
	p0 =	sne.s32 s2, $0x0  }
0x1f8: {  	s3 =	rddreg [dreg:$0x2];
	[bflag:$0x3] =	sbarrier.arrive $0xFFFF;
	s2 =	simm.s32 @!p0 $0x1C03  }
0x1f9: {  	[timem:s3], [sflag:s2] =	dma.local @!p0 [hbm:s0], s1  }
0x1fa: {  	s0 =	simm.s32 @!p0 $0x3  }
0x1fb: {  	_ =	swait.ge @!p0 [sflag:s0], s1  }
0x1fc: {  	s1 =	ssub.s32 @!p0 $0x0, s1;
	[sflag:s0] =	ssyncset.done @!p0 $0x0  }
0x1fd: {  	[sflag:s0] =	ssyncadd.s32 @!p0 s1  }
0x1fe: {  	[bflag:$0x3] =	sbarrier.arrive $0xFFFF  }
0x1ff: {  	_ =	shalt  }

</sc_bundles>
